<compile_context>
chip_gen: v7x
topology: tpu7x:2x2x1
jax: 0.10.2.dev20260603
libtpu: 0.0.44.dev20260713+nightly
codegen_flags: <defaults>
</compile_context>

<pallas_src>
import jax
import jax.numpy as jnp
from jax import lax
from jax.experimental import pallas as pl
from jax.experimental.pallas import tpu as pltpu
from jax.experimental.pallas import tpu_sc as plsc

N = 10000
D = 128
E = 320000

NC = 2
NS = 16
DH = D // NC
NPAD = 10240
AROWS = NPAD + NS
K = 80
NBUF = 4
NGRP = 3
GCHUNK = 84
NCHUNK = NGRP * GCHUNK
E_TILE = NCHUNK * K
ROWS_PER_TILE = NPAD // NS


def _seg_body(x_hbm, src_hbm, dst_hbm, out_hbm,
              src_v, dst_v, r0, r1, r2, r3, agg, gsem, ssem):
    cid = lax.axis_index("c")
    sid = lax.axis_index("s")
    rv = [r0, r1, r2, r3]

    z = jnp.zeros((16,), jnp.float32)

    def zrow(r, carry):
        for j in range(DH // 16):
            r0[r, pl.ds(j * 16, 16)] = z
        return carry

    lax.fori_loop(0, K, zrow, 0)
    row0 = sid * ROWS_PER_TILE
    for t in range(ROWS_PER_TILE // K):
        pltpu.sync_copy(r0, agg.at[pl.ds(row0 + t * K, K)])
    plsc.subcore_barrier()

    def gather(c, b):
        return pltpu.make_async_copy(x_hbm.at[src_v.at[c]], rv[b], gsem)

    def scatter(c, b):
        return pltpu.async_copy(rv[b], agg.at[dst_v.at[c]], ssem, add=True)

    def scatter_wait(c, b):
        pltpu.make_async_copy(rv[b], agg.at[dst_v.at[c]], ssem).wait()

    for g in range(NGRP):
        pltpu.sync_copy(src_hbm.at[cid, sid, g], src_v)
        pltpu.sync_copy(dst_hbm.at[sid, g], dst_v)

        for b in range(NBUF - 1):
            gather(b, b).start()

        def step(c, b):
            gather(c, b).wait()

            @pl.when(c >= 1)
            def _():
                scatter_wait(c - 1, (b + NBUF - 1) % NBUF)

            @pl.when(c + NBUF - 1 < GCHUNK)
            def _():
                gather(c + NBUF - 1, (b + NBUF - 1) % NBUF).start()

            scatter(c, b)

        def ring(t, carry):
            for b in range(NBUF):
                step(t * NBUF + b, b)
            return carry

        lax.fori_loop(0, GCHUNK // NBUF, ring, 0)
        scatter_wait(GCHUNK - 1, (GCHUNK - 1) % NBUF)

    plsc.subcore_barrier()

    pltpu.sync_copy(agg.at[pl.ds(row0, ROWS_PER_TILE)],
                    out_hbm.at[pl.ds(cid * NPAD + row0, ROWS_PER_TILE)])


@jax.jit
def _seg_sum(xs, src_r, dst_r):
    mesh = plsc.VectorSubcoreMesh(core_axis_name="c", subcore_axis_name="s")
    return pl.kernel(
        _seg_body,
        out_type=jax.ShapeDtypeStruct((NC * NPAD, DH), jnp.float32),
        mesh=mesh,
        compiler_params=pltpu.CompilerParams(use_tc_tiling_on_sc=False),
        scratch_types=[
            pltpu.VMEM((GCHUNK, K), jnp.int32),
            pltpu.VMEM((GCHUNK, K), jnp.int32),
            pltpu.VMEM((K, DH), jnp.float32),
            pltpu.VMEM((K, DH), jnp.float32),
            pltpu.VMEM((K, DH), jnp.float32),
            pltpu.VMEM((K, DH), jnp.float32),
            pltpu.VMEM_SHARED((AROWS, DH), jnp.float32),
            pltpu.SemaphoreType.DMA,
            pltpu.SemaphoreType.DMA,
        ],
    )(xs, src_r, dst_r)


def _mlp_mid_body(p_ref, w_ref, b_ref, o_ref):
    y = (jnp.dot(p_ref[0], w_ref[pl.ds(0, DH)],
                 preferred_element_type=jnp.float32)
         + jnp.dot(p_ref[1], w_ref[pl.ds(DH, DH)],
                   preferred_element_type=jnp.float32)
         + b_ref[...])
    o_ref[...] = jnp.maximum(y, 0.0)


@jax.jit
def _mlp(p, W, b):
    R = 1000
    return pl.pallas_call(
        _mlp_mid_body,
        grid=(N // R,),
        in_specs=[
            pl.BlockSpec((2, R, DH), lambda i: (0, i, 0)),
            pl.BlockSpec((D, D), lambda i: (0, 0)),
            pl.BlockSpec((1, D), lambda i: (0, 0)),
        ],
        out_specs=pl.BlockSpec((R, D), lambda i: (i, 0)),
        out_shape=jax.ShapeDtypeStruct((N, D), jnp.float32),
    )(p, W, b.reshape(1, D))


def kernel(h, edge_index, W1, b1, W2, b2):
    src = edge_index[0].reshape(NS, E // NS)
    src = jnp.pad(src, ((0, 0), (0, E_TILE - E // NS)))
    src2 = (2 * src).reshape(1, NS, NGRP, GCHUNK, K)
    src_r = jnp.concatenate([src2, src2 + 1], axis=0)

    dst = edge_index[1].reshape(NS, E // NS)
    trash = jnp.broadcast_to(
        (NPAD + jnp.arange(NS, dtype=jnp.int32))[:, None],
        (NS, E_TILE - E // NS))
    dst_r = jnp.concatenate([dst, trash], axis=1)
    dst_r = dst_r.reshape(NS, NGRP, GCHUNK, K)

    a1 = _seg_sum(h.reshape(2 * N, DH), src_r, dst_r).reshape(NC, NPAD, DH)
    x = _mlp(a1, W1, b1)
    a2 = _seg_sum(x.reshape(2 * N, DH), src_r, dst_r)
    return _mlp(a2.reshape(NC, NPAD, DH), W2, b2)

# --- scband reference (transcript-rebuilt; emitter-appended) ---
"""Pipeline reference for scband-encoder-17824114279155 (READ-ONLY COPY).

The authoritative reference and input builder live on the scoring server;
editing this copy changes nothing except your own understanding.
"""

import jax, jax.numpy as jnp
import numpy as np

N = 10000
D = 128
H = 128
E = 320000

def setup_inputs(seed: int = 0) -> dict:
    key = jax.random.key(seed)
    k1, k2, k3, k4, k5, k6 = jax.random.split(key, 6)
    h = jax.random.normal(k1, (N, D), dtype=jnp.float32)
    edge_index = jax.random.randint(k2, (2, E), 0, N, dtype=jnp.int32)
    W1 = jax.random.normal(k3, (D, H), dtype=jnp.float32) * (1.0 / np.sqrt(D))
    b1 = jnp.zeros((H,), dtype=jnp.float32)
    W2 = jax.random.normal(k4, (H, H), dtype=jnp.float32) * (1.0 / np.sqrt(H))
    b2 = jnp.zeros((H,), dtype=jnp.float32)
    return {"h": h, "edge_index": edge_index, "W1": W1, "b1": b1, "W2": W2, "b2": b2}

def _graph_conv(x, src, dst, W, b):
    # DGL GraphConv with norm='none': sum-aggregate source features over incoming
    # edges at each destination node, then apply linear transform + bias.
    msgs = jnp.take(x, src, axis=0)
    agg = jax.ops.segment_sum(msgs, dst, num_segments=N)
    return agg @ W + b

def reference(h, edge_index, W1, b1, W2, b2):
    src = edge_index[0]
    dst = edge_index[1]
    x = jax.nn.relu(_graph_conv(h, src, dst, W1, b1))
    # F.dropout with training=False (eval mode) is identity
    x = jax.nn.relu(_graph_conv(x, src, dst, W2, b2))
    return x

if __name__ == "__main__":
    import jax
    _d = setup_inputs()
    print(jax.jit(kernel)(*tuple(_d.values())))

</pallas_src>

<mosaic_0001>
#map = affine_map<(d0, d1) -> (0, 0)>
#map1 = affine_map<(d0, d1) -> (0, 0, 0, 0, 0)>
#map2 = affine_map<(d0, d1) -> (0, 0, 0, 0)>
module attributes {stable_mosaic.version = 14 : i64} {
  func.func @_seg_body(%arg0: i32, %arg1: i32, %arg2: memref<20000x64xf32, #tpu.memory_space<hbm>>, %arg3: memref<2x16x3x84x80xi32, #tpu.memory_space<hbm>>, %arg4: memref<16x3x84x80xi32, #tpu.memory_space<hbm>>, %arg5: memref<20480x64xf32, #tpu.memory_space<hbm>>, %arg6: memref<84x80xi32, #tpu.memory_space<vmem>>, %arg7: memref<84x80xi32, #tpu.memory_space<vmem>>, %arg8: memref<80x64xf32, #tpu.memory_space<vmem>>, %arg9: memref<80x64xf32, #tpu.memory_space<vmem>>, %arg10: memref<80x64xf32, #tpu.memory_space<vmem>>, %arg11: memref<80x64xf32, #tpu.memory_space<vmem>>, %arg12: memref<10256x64xf32, #tpu.memory_space<vmem_shared>>, %arg13: memref<!tpu.dma_semaphore, #tpu.memory_space<semaphore_mem>>, %arg14: memref<!tpu.dma_semaphore, #tpu.memory_space<semaphore_mem>>) attributes {dimension_semantics = [#tpu.dimension_semantics<core_parallel>, #tpu.dimension_semantics<subcore_parallel>], iteration_bounds = array<i64: 2, 16>, scalar_prefetch = 0 : i64, scratch_operands = 9 : i64, tpu.core_type = #tpu.core_type<sc_vector_subcore>, window_params = [{transform_indices = #map}, {transform_indices = #map1}, {transform_indices = #map2}, {transform_indices = #map}]} {
    %broadcast_in_dim3A = arith.constant 0.000000e+00 : f32
    %broadcast_in_dim3A_0 = vector.broadcast %broadcast_in_dim3A : f32 to vector<16xf32>
    %scan3A = arith.constant 0 : i32
    %scan3A_1 = arith.constant 0 : i32
    %scan3A_2 = arith.constant 80 : i32
    %scan3A_3 = arith.addi %scan3A_1, %scan3A_2 : i32
    %scan3A_4 = arith.constant 1 : i32
    scf.for %scan3A_131 = %scan3A_1 to %scan3A_3 step %scan3A_4  : i32 {
      %swap3A = arith.index_cast %scan3A_131 : i32 to index
      %swap3A_132 = arith.constant 0 : index
      %swap3A_133 = tpu.vector_load %arg8[%swap3A, %swap3A_132] {strides = array<i32>} : memref<80x64xf32, #tpu.memory_space<vmem>>, vector<1x16xf32>,
      %swap3A_134 = vector.shape_cast %swap3A_133 : vector<1x16xf32> to vector<16xf32>
      %swap3A_135 = vector.shape_cast %broadcast_in_dim3A_0 : vector<16xf32> to vector<1x16xf32>
      tpu.vector_store %arg8[%swap3A, %swap3A_132], %swap3A_135 {strides = array<i32>} : memref<80x64xf32, #tpu.memory_space<vmem>>, vector<1x16xf32>,
      %swap3A_136 = arith.index_cast %scan3A_131 : i32 to index
      %swap3A_137 = arith.constant 16 : index
      %swap3A_138 = tpu.vector_load %arg8[%swap3A_136, %swap3A_137] {strides = array<i32>} : memref<80x64xf32, #tpu.memory_space<vmem>>, vector<1x16xf32>,
      %swap3A_139 = vector.shape_cast %swap3A_138 : vector<1x16xf32> to vector<16xf32>
      %swap3A_140 = vector.shape_cast %broadcast_in_dim3A_0 : vector<16xf32> to vector<1x16xf32>
      tpu.vector_store %arg8[%swap3A_136, %swap3A_137], %swap3A_140 {strides = array<i32>} : memref<80x64xf32, #tpu.memory_space<vmem>>, vector<1x16xf32>,
      %swap3A_141 = arith.index_cast %scan3A_131 : i32 to index
      %swap3A_142 = arith.constant 32 : index
      %swap3A_143 = tpu.vector_load %arg8[%swap3A_141, %swap3A_142] {strides = array<i32>} : memref<80x64xf32, #tpu.memory_space<vmem>>, vector<1x16xf32>,
      %swap3A_144 = vector.shape_cast %swap3A_143 : vector<1x16xf32> to vector<16xf32>
      %swap3A_145 = vector.shape_cast %broadcast_in_dim3A_0 : vector<16xf32> to vector<1x16xf32>
      tpu.vector_store %arg8[%swap3A_141, %swap3A_142], %swap3A_145 {strides = array<i32>} : memref<80x64xf32, #tpu.memory_space<vmem>>, vector<1x16xf32>,
      %swap3A_146 = arith.index_cast %scan3A_131 : i32 to index
      %swap3A_147 = arith.constant 48 : index
      %swap3A_148 = tpu.vector_load %arg8[%swap3A_146, %swap3A_147] {strides = array<i32>} : memref<80x64xf32, #tpu.memory_space<vmem>>, vector<1x16xf32>,
      %swap3A_149 = vector.shape_cast %swap3A_148 : vector<1x16xf32> to vector<16xf32>
      %swap3A_150 = vector.shape_cast %broadcast_in_dim3A_0 : vector<16xf32> to vector<1x16xf32>
      tpu.vector_store %arg8[%swap3A_146, %swap3A_147], %swap3A_150 {strides = array<i32>} : memref<80x64xf32, #tpu.memory_space<vmem>>, vector<1x16xf32>,
    }
    %scan3A_5 = arith.constant 80 : i32
    %mul3A = arith.constant 640 : i32
    %mul3A_6 = arith.muli %arg1, %mul3A : i32
    %add3A = arith.constant 0 : i32
    %add3A_7 = arith.addi %mul3A_6, %add3A : i32
    "tpu.region"() ({
      %run_scoped3A_131 = tpu.sem_alloc : memref<!tpu.dma_semaphore, #tpu.memory_space<semaphore_mem>>
      %dma_start3A_132 = arith.constant 0 : i32
      %dma_start3A_133 = tpu.memref_slice %arg12[%add3A_7, %dma_start3A_132] : memref<10256x64xf32, #tpu.memory_space<vmem_shared>> -> memref<80x64xf32, #tpu.memory_space<vmem_shared>>
      %dma_start3A_134 = arith.constant 0 : i32
      %dma_start3A_135 = tpu.memref_slice %arg12[%add3A_7, %dma_start3A_134] : memref<10256x64xf32, #tpu.memory_space<vmem_shared>> -> memref<80x64xf32, #tpu.memory_space<vmem_shared>>
      tpu.enqueue_dma source(%arg8 : memref<80x64xf32, #tpu.memory_space<vmem>>) target(%dma_start3A_135 : memref<80x64xf32, #tpu.memory_space<vmem_shared>>) target_semaphore(%run_scoped3A_131 : memref<!tpu.dma_semaphore, #tpu.memory_space<semaphore_mem>>)
      %dma_wait3A_136 = arith.constant 0 : i32
      %dma_wait3A_137 = tpu.memref_slice %arg12[%add3A_7, %dma_wait3A_136] : memref<10256x64xf32, #tpu.memory_space<vmem_shared>> -> memref<80x64xf32, #tpu.memory_space<vmem_shared>>
      %dma_wait3A_138 = arith.constant 0 : i32
      %dma_wait3A_139 = tpu.memref_slice %arg12[%add3A_7, %dma_wait3A_138] : memref<10256x64xf32, #tpu.memory_space<vmem_shared>> -> memref<80x64xf32, #tpu.memory_space<vmem_shared>>
      tpu.wait_dma2 semaphore(%run_scoped3A_131 : memref<!tpu.dma_semaphore, #tpu.memory_space<semaphore_mem>>) src(%arg8 : memref<80x64xf32, #tpu.memory_space<vmem>>) dst(%dma_wait3A_139 : memref<80x64xf32, #tpu.memory_space<vmem_shared>>)
      tpu.yield
    }) : () -> ()
    %add3A_8 = arith.constant 80 : i32
    %add3A_9 = arith.addi %mul3A_6, %add3A_8 : i32
    "tpu.region"() ({
      %run_scoped3A_131 = tpu.sem_alloc : memref<!tpu.dma_semaphore, #tpu.memory_space<semaphore_mem>>
      %dma_start3A_132 = arith.constant 0 : i32
      %dma_start3A_133 = tpu.memref_slice %arg12[%add3A_9, %dma_start3A_132] : memref<10256x64xf32, #tpu.memory_space<vmem_shared>> -> memref<80x64xf32, #tpu.memory_space<vmem_shared>>
      %dma_start3A_134 = arith.constant 0 : i32
      %dma_start3A_135 = tpu.memref_slice %arg12[%add3A_9, %dma_start3A_134] : memref<10256x64xf32, #tpu.memory_space<vmem_shared>> -> memref<80x64xf32, #tpu.memory_space<vmem_shared>>
      tpu.enqueue_dma source(%arg8 : memref<80x64xf32, #tpu.memory_space<vmem>>) target(%dma_start3A_135 : memref<80x64xf32, #tpu.memory_space<vmem_shared>>) target_semaphore(%run_scoped3A_131 : memref<!tpu.dma_semaphore, #tpu.memory_space<semaphore_mem>>)
      %dma_wait3A_136 = arith.constant 0 : i32
      %dma_wait3A_137 = tpu.memref_slice %arg12[%add3A_9, %dma_wait3A_136] : memref<10256x64xf32, #tpu.memory_space<vmem_shared>> -> memref<80x64xf32, #tpu.memory_space<vmem_shared>>
      %dma_wait3A_138 = arith.constant 0 : i32
      %dma_wait3A_139 = tpu.memref_slice %arg12[%add3A_9, %dma_wait3A_138] : memref<10256x64xf32, #tpu.memory_space<vmem_shared>> -> memref<80x64xf32, #tpu.memory_space<vmem_shared>>
      tpu.wait_dma2 semaphore(%run_scoped3A_131 : memref<!tpu.dma_semaphore, #tpu.memory_space<semaphore_mem>>) src(%arg8 : memref<80x64xf32, #tpu.memory_space<vmem>>) dst(%dma_wait3A_139 : memref<80x64xf32, #tpu.memory_space<vmem_shared>>)
      tpu.yield
    }) : () -> ()
    %add3A_10 = arith.constant 160 : i32
    %add3A_11 = arith.addi %mul3A_6, %add3A_10 : i32
    "tpu.region"() ({
      %run_scoped3A_131 = tpu.sem_alloc : memref<!tpu.dma_semaphore, #tpu.memory_space<semaphore_mem>>
      %dma_start3A_132 = arith.constant 0 : i32
      %dma_start3A_133 = tpu.memref_slice %arg12[%add3A_11, %dma_start3A_132] : memref<10256x64xf32, #tpu.memory_space<vmem_shared>> -> memref<80x64xf32, #tpu.memory_space<vmem_shared>>
      %dma_start3A_134 = arith.constant 0 : i32
      %dma_start3A_135 = tpu.memref_slice %arg12[%add3A_11, %dma_start3A_134] : memref<10256x64xf32, #tpu.memory_space<vmem_shared>> -> memref<80x64xf32, #tpu.memory_space<vmem_shared>>
      tpu.enqueue_dma source(%arg8 : memref<80x64xf32, #tpu.memory_space<vmem>>) target(%dma_start3A_135 : memref<80x64xf32, #tpu.memory_space<vmem_shared>>) target_semaphore(%run_scoped3A_131 : memref<!tpu.dma_semaphore, #tpu.memory_space<semaphore_mem>>)
      %dma_wait3A_136 = arith.constant 0 : i32
      %dma_wait3A_137 = tpu.memref_slice %arg12[%add3A_11, %dma_wait3A_136] : memref<10256x64xf32, #tpu.memory_space<vmem_shared>> -> memref<80x64xf32, #tpu.memory_space<vmem_shared>>
      %dma_wait3A_138 = arith.constant 0 : i32
      %dma_wait3A_139 = tpu.memref_slice %arg12[%add3A_11, %dma_wait3A_138] : memref<10256x64xf32, #tpu.memory_space<vmem_shared>> -> memref<80x64xf32, #tpu.memory_space<vmem_shared>>
      tpu.wait_dma2 semaphore(%run_scoped3A_131 : memref<!tpu.dma_semaphore, #tpu.memory_space<semaphore_mem>>) src(%arg8 : memref<80x64xf32, #tpu.memory_space<vmem>>) dst(%dma_wait3A_139 : memref<80x64xf32, #tpu.memory_space<vmem_shared>>)
      tpu.yield
    }) : () -> ()
    %add3A_12 = arith.constant 240 : i32
    %add3A_13 = arith.addi %mul3A_6, %add3A_12 : i32
    "tpu.region"() ({
      %run_scoped3A_131 = tpu.sem_alloc : memref<!tpu.dma_semaphore, #tpu.memory_space<semaphore_mem>>
      %dma_start3A_132 = arith.constant 0 : i32
      %dma_start3A_133 = tpu.memref_slice %arg12[%add3A_13, %dma_start3A_132] : memref<10256x64xf32, #tpu.memory_space<vmem_shared>> -> memref<80x64xf32, #tpu.memory_space<vmem_shared>>
      %dma_start3A_134 = arith.constant 0 : i32
      %dma_start3A_135 = tpu.memref_slice %arg12[%add3A_13, %dma_start3A_134] : memref<10256x64xf32, #tpu.memory_space<vmem_shared>> -> memref<80x64xf32, #tpu.memory_space<vmem_shared>>
      tpu.enqueue_dma source(%arg8 : memref<80x64xf32, #tpu.memory_space<vmem>>) target(%dma_start3A_135 : memref<80x64xf32, #tpu.memory_space<vmem_shared>>) target_semaphore(%run_scoped3A_131 : memref<!tpu.dma_semaphore, #tpu.memory_space<semaphore_mem>>)
      %dma_wait3A_136 = arith.constant 0 : i32
      %dma_wait3A_137 = tpu.memref_slice %arg12[%add3A_13, %dma_wait3A_136] : memref<10256x64xf32, #tpu.memory_space<vmem_shared>> -> memref<80x64xf32, #tpu.memory_space<vmem_shared>>
      %dma_wait3A_138 = arith.constant 0 : i32
      %dma_wait3A_139 = tpu.memref_slice %arg12[%add3A_13, %dma_wait3A_138] : memref<10256x64xf32, #tpu.memory_space<vmem_shared>> -> memref<80x64xf32, #tpu.memory_space<vmem_shared>>
      tpu.wait_dma2 semaphore(%run_scoped3A_131 : memref<!tpu.dma_semaphore, #tpu.memory_space<semaphore_mem>>) src(%arg8 : memref<80x64xf32, #tpu.memory_space<vmem>>) dst(%dma_wait3A_139 : memref<80x64xf32, #tpu.memory_space<vmem_shared>>)
      tpu.yield
    }) : () -> ()
    %add3A_14 = arith.constant 320 : i32
    %add3A_15 = arith.addi %mul3A_6, %add3A_14 : i32
    "tpu.region"() ({
      %run_scoped3A_131 = tpu.sem_alloc : memref<!tpu.dma_semaphore, #tpu.memory_space<semaphore_mem>>
      %dma_start3A_132 = arith.constant 0 : i32
      %dma_start3A_133 = tpu.memref_slice %arg12[%add3A_15, %dma_start3A_132] : memref<10256x64xf32, #tpu.memory_space<vmem_shared>> -> memref<80x64xf32, #tpu.memory_space<vmem_shared>>
      %dma_start3A_134 = arith.constant 0 : i32
      %dma_start3A_135 = tpu.memref_slice %arg12[%add3A_15, %dma_start3A_134] : memref<10256x64xf32, #tpu.memory_space<vmem_shared>> -> memref<80x64xf32, #tpu.memory_space<vmem_shared>>
      tpu.enqueue_dma source(%arg8 : memref<80x64xf32, #tpu.memory_space<vmem>>) target(%dma_start3A_135 : memref<80x64xf32, #tpu.memory_space<vmem_shared>>) target_semaphore(%run_scoped3A_131 : memref<!tpu.dma_semaphore, #tpu.memory_space<semaphore_mem>>)
      %dma_wait3A_136 = arith.constant 0 : i32
      %dma_wait3A_137 = tpu.memref_slice %arg12[%add3A_15, %dma_wait3A_136] : memref<10256x64xf32, #tpu.memory_space<vmem_shared>> -> memref<80x64xf32, #tpu.memory_space<vmem_shared>>
      %dma_wait3A_138 = arith.constant 0 : i32
      %dma_wait3A_139 = tpu.memref_slice %arg12[%add3A_15, %dma_wait3A_138] : memref<10256x64xf32, #tpu.memory_space<vmem_shared>> -> memref<80x64xf32, #tpu.memory_space<vmem_shared>>
      tpu.wait_dma2 semaphore(%run_scoped3A_131 : memref<!tpu.dma_semaphore, #tpu.memory_space<semaphore_mem>>) src(%arg8 : memref<80x64xf32, #tpu.memory_space<vmem>>) dst(%dma_wait3A_139 : memref<80x64xf32, #tpu.memory_space<vmem_shared>>)
      tpu.yield
    }) : () -> ()
    %add3A_16 = arith.constant 400 : i32
    %add3A_17 = arith.addi %mul3A_6, %add3A_16 : i32
    "tpu.region"() ({
      %run_scoped3A_131 = tpu.sem_alloc : memref<!tpu.dma_semaphore, #tpu.memory_space<semaphore_mem>>
      %dma_start3A_132 = arith.constant 0 : i32
      %dma_start3A_133 = tpu.memref_slice %arg12[%add3A_17, %dma_start3A_132] : memref<10256x64xf32, #tpu.memory_space<vmem_shared>> -> memref<80x64xf32, #tpu.memory_space<vmem_shared>>
      %dma_start3A_134 = arith.constant 0 : i32
      %dma_start3A_135 = tpu.memref_slice %arg12[%add3A_17, %dma_start3A_134] : memref<10256x64xf32, #tpu.memory_space<vmem_shared>> -> memref<80x64xf32, #tpu.memory_space<vmem_shared>>
      tpu.enqueue_dma source(%arg8 : memref<80x64xf32, #tpu.memory_space<vmem>>) target(%dma_start3A_135 : memref<80x64xf32, #tpu.memory_space<vmem_shared>>) target_semaphore(%run_scoped3A_131 : memref<!tpu.dma_semaphore, #tpu.memory_space<semaphore_mem>>)
      %dma_wait3A_136 = arith.constant 0 : i32
      %dma_wait3A_137 = tpu.memref_slice %arg12[%add3A_17, %dma_wait3A_136] : memref<10256x64xf32, #tpu.memory_space<vmem_shared>> -> memref<80x64xf32, #tpu.memory_space<vmem_shared>>
      %dma_wait3A_138 = arith.constant 0 : i32
      %dma_wait3A_139 = tpu.memref_slice %arg12[%add3A_17, %dma_wait3A_138] : memref<10256x64xf32, #tpu.memory_space<vmem_shared>> -> memref<80x64xf32, #tpu.memory_space<vmem_shared>>
      tpu.wait_dma2 semaphore(%run_scoped3A_131 : memref<!tpu.dma_semaphore, #tpu.memory_space<semaphore_mem>>) src(%arg8 : memref<80x64xf32, #tpu.memory_space<vmem>>) dst(%dma_wait3A_139 : memref<80x64xf32, #tpu.memory_space<vmem_shared>>)
      tpu.yield
    }) : () -> ()
    %add3A_18 = arith.constant 480 : i32
    %add3A_19 = arith.addi %mul3A_6, %add3A_18 : i32
    "tpu.region"() ({
      %run_scoped3A_131 = tpu.sem_alloc : memref<!tpu.dma_semaphore, #tpu.memory_space<semaphore_mem>>
      %dma_start3A_132 = arith.constant 0 : i32
      %dma_start3A_133 = tpu.memref_slice %arg12[%add3A_19, %dma_start3A_132] : memref<10256x64xf32, #tpu.memory_space<vmem_shared>> -> memref<80x64xf32, #tpu.memory_space<vmem_shared>>
      %dma_start3A_134 = arith.constant 0 : i32
      %dma_start3A_135 = tpu.memref_slice %arg12[%add3A_19, %dma_start3A_134] : memref<10256x64xf32, #tpu.memory_space<vmem_shared>> -> memref<80x64xf32, #tpu.memory_space<vmem_shared>>
      tpu.enqueue_dma source(%arg8 : memref<80x64xf32, #tpu.memory_space<vmem>>) target(%dma_start3A_135 : memref<80x64xf32, #tpu.memory_space<vmem_shared>>) target_semaphore(%run_scoped3A_131 : memref<!tpu.dma_semaphore, #tpu.memory_space<semaphore_mem>>)
      %dma_wait3A_136 = arith.constant 0 : i32
      %dma_wait3A_137 = tpu.memref_slice %arg12[%add3A_19, %dma_wait3A_136] : memref<10256x64xf32, #tpu.memory_space<vmem_shared>> -> memref<80x64xf32, #tpu.memory_space<vmem_shared>>
      %dma_wait3A_138 = arith.constant 0 : i32
      %dma_wait3A_139 = tpu.memref_slice %arg12[%add3A_19, %dma_wait3A_138] : memref<10256x64xf32, #tpu.memory_space<vmem_shared>> -> memref<80x64xf32, #tpu.memory_space<vmem_shared>>
      tpu.wait_dma2 semaphore(%run_scoped3A_131 : memref<!tpu.dma_semaphore, #tpu.memory_space<semaphore_mem>>) src(%arg8 : memref<80x64xf32, #tpu.memory_space<vmem>>) dst(%dma_wait3A_139 : memref<80x64xf32, #tpu.memory_space<vmem_shared>>)
      tpu.yield
    }) : () -> ()
    %add3A_20 = arith.constant 560 : i32
    %add3A_21 = arith.addi %mul3A_6, %add3A_20 : i32
    "tpu.region"() ({
      %run_scoped3A_131 = tpu.sem_alloc : memref<!tpu.dma_semaphore, #tpu.memory_space<semaphore_mem>>
      %dma_start3A_132 = arith.constant 0 : i32
      %dma_start3A_133 = tpu.memref_slice %arg12[%add3A_21, %dma_start3A_132] : memref<10256x64xf32, #tpu.memory_space<vmem_shared>> -> memref<80x64xf32, #tpu.memory_space<vmem_shared>>
      %dma_start3A_134 = arith.constant 0 : i32
      %dma_start3A_135 = tpu.memref_slice %arg12[%add3A_21, %dma_start3A_134] : memref<10256x64xf32, #tpu.memory_space<vmem_shared>> -> memref<80x64xf32, #tpu.memory_space<vmem_shared>>
      tpu.enqueue_dma source(%arg8 : memref<80x64xf32, #tpu.memory_space<vmem>>) target(%dma_start3A_135 : memref<80x64xf32, #tpu.memory_space<vmem_shared>>) target_semaphore(%run_scoped3A_131 : memref<!tpu.dma_semaphore, #tpu.memory_space<semaphore_mem>>)
      %dma_wait3A_136 = arith.constant 0 : i32
      %dma_wait3A_137 = tpu.memref_slice %arg12[%add3A_21, %dma_wait3A_136] : memref<10256x64xf32, #tpu.memory_space<vmem_shared>> -> memref<80x64xf32, #tpu.memory_space<vmem_shared>>
      %dma_wait3A_138 = arith.constant 0 : i32
      %dma_wait3A_139 = tpu.memref_slice %arg12[%add3A_21, %dma_wait3A_138] : memref<10256x64xf32, #tpu.memory_space<vmem_shared>> -> memref<80x64xf32, #tpu.memory_space<vmem_shared>>
      tpu.wait_dma2 semaphore(%run_scoped3A_131 : memref<!tpu.dma_semaphore, #tpu.memory_space<semaphore_mem>>) src(%arg8 : memref<80x64xf32, #tpu.memory_space<vmem>>) dst(%dma_wait3A_139 : memref<80x64xf32, #tpu.memory_space<vmem_shared>>)
      tpu.yield
    }) : () -> ()
    %barrier3A = arith.constant 0 : index
    tpu.barrier barrier_id(%barrier3A)
    %run_scoped3A = arith.constant 0 : i32
    "tpu.region"() ({
      %run_scoped3A_131 = tpu.sem_alloc : memref<!tpu.dma_semaphore, #tpu.memory_space<semaphore_mem>>
      %dma_start3A_132 = arith.constant 0 : i32
      %dma_start3A_133 = arith.constant 0 : i32
      %dma_start3A_134 = tpu.memref_slice %arg3[%arg0, %arg1, %run_scoped3A, %dma_start3A_132, %dma_start3A_133] : memref<2x16x3x84x80xi32, #tpu.memory_space<hbm>> -> memref<1x1x1x84x80xi32, #tpu.memory_space<hbm>>
      %dma_start3A_135 = tpu.memref_squeeze %dma_start3A_134 : memref<1x1x1x84x80xi32, #tpu.memory_space<hbm>> -> memref<84x80xi32, #tpu.memory_space<hbm>>
      %dma_start3A_136 = arith.constant 0 : i32
      %dma_start3A_137 = arith.constant 0 : i32
      %dma_start3A_138 = tpu.memref_slice %arg3[%arg0, %arg1, %run_scoped3A, %dma_start3A_136, %dma_start3A_137] : memref<2x16x3x84x80xi32, #tpu.memory_space<hbm>> -> memref<1x1x1x84x80xi32, #tpu.memory_space<hbm>>
      %dma_start3A_139 = tpu.memref_squeeze %dma_start3A_138 : memref<1x1x1x84x80xi32, #tpu.memory_space<hbm>> -> memref<84x80xi32, #tpu.memory_space<hbm>>
      tpu.enqueue_dma source(%dma_start3A_139 : memref<84x80xi32, #tpu.memory_space<hbm>>) target(%arg6 : memref<84x80xi32, #tpu.memory_space<vmem>>) target_semaphore(%run_scoped3A_131 : memref<!tpu.dma_semaphore, #tpu.memory_space<semaphore_mem>>)
      %dma_wait3A_140 = arith.constant 0 : i32
      %dma_wait3A_141 = arith.constant 0 : i32
      %dma_wait3A_142 = tpu.memref_slice %arg3[%arg0, %arg1, %run_scoped3A, %dma_wait3A_140, %dma_wait3A_141] : memref<2x16x3x84x80xi32, #tpu.memory_space<hbm>> -> memref<1x1x1x84x80xi32, #tpu.memory_space<hbm>>
      %dma_wait3A_143 = tpu.memref_squeeze %dma_wait3A_142 : memref<1x1x1x84x80xi32, #tpu.memory_space<hbm>> -> memref<84x80xi32, #tpu.memory_space<hbm>>
      %dma_wait3A_144 = arith.constant 0 : i32
      %dma_wait3A_145 = arith.constant 0 : i32
      %dma_wait3A_146 = tpu.memref_slice %arg3[%arg0, %arg1, %run_scoped3A, %dma_wait3A_144, %dma_wait3A_145] : memref<2x16x3x84x80xi32, #tpu.memory_space<hbm>> -> memref<1x1x1x84x80xi32, #tpu.memory_space<hbm>>
      %dma_wait3A_147 = tpu.memref_squeeze %dma_wait3A_146 : memref<1x1x1x84x80xi32, #tpu.memory_space<hbm>> -> memref<84x80xi32, #tpu.memory_space<hbm>>
      tpu.wait_dma2 semaphore(%run_scoped3A_131 : memref<!tpu.dma_semaphore, #tpu.memory_space<semaphore_mem>>) src(%dma_wait3A_147 : memref<84x80xi32, #tpu.memory_space<hbm>>) dst(%arg6 : memref<84x80xi32, #tpu.memory_space<vmem>>)
      tpu.yield
    }) : () -> ()
    %run_scoped3A_22 = arith.constant 0 : i32
    "tpu.region"() ({
      %run_scoped3A_131 = tpu.sem_alloc : memref<!tpu.dma_semaphore, #tpu.memory_space<semaphore_mem>>
      %dma_start3A_132 = arith.constant 0 : i32
      %dma_start3A_133 = arith.constant 0 : i32
      %dma_start3A_134 = tpu.memref_slice %arg4[%arg1, %run_scoped3A_22, %dma_start3A_132, %dma_start3A_133] : memref<16x3x84x80xi32, #tpu.memory_space<hbm>> -> memref<1x1x84x80xi32, #tpu.memory_space<hbm>>
      %dma_start3A_135 = tpu.memref_squeeze %dma_start3A_134 : memref<1x1x84x80xi32, #tpu.memory_space<hbm>> -> memref<84x80xi32, #tpu.memory_space<hbm>>
      %dma_start3A_136 = arith.constant 0 : i32
      %dma_start3A_137 = arith.constant 0 : i32
      %dma_start3A_138 = tpu.memref_slice %arg4[%arg1, %run_scoped3A_22, %dma_start3A_136, %dma_start3A_137] : memref<16x3x84x80xi32, #tpu.memory_space<hbm>> -> memref<1x1x84x80xi32, #tpu.memory_space<hbm>>
      %dma_start3A_139 = tpu.memref_squeeze %dma_start3A_138 : memref<1x1x84x80xi32, #tpu.memory_space<hbm>> -> memref<84x80xi32, #tpu.memory_space<hbm>>
      tpu.enqueue_dma source(%dma_start3A_139 : memref<84x80xi32, #tpu.memory_space<hbm>>) target(%arg7 : memref<84x80xi32, #tpu.memory_space<vmem>>) target_semaphore(%run_scoped3A_131 : memref<!tpu.dma_semaphore, #tpu.memory_space<semaphore_mem>>)
      %dma_wait3A_140 = arith.constant 0 : i32
      %dma_wait3A_141 = arith.constant 0 : i32
      %dma_wait3A_142 = tpu.memref_slice %arg4[%arg1, %run_scoped3A_22, %dma_wait3A_140, %dma_wait3A_141] : memref<16x3x84x80xi32, #tpu.memory_space<hbm>> -> memref<1x1x84x80xi32, #tpu.memory_space<hbm>>
      %dma_wait3A_143 = tpu.memref_squeeze %dma_wait3A_142 : memref<1x1x84x80xi32, #tpu.memory_space<hbm>> -> memref<84x80xi32, #tpu.memory_space<hbm>>
      %dma_wait3A_144 = arith.constant 0 : i32
      %dma_wait3A_145 = arith.constant 0 : i32
      %dma_wait3A_146 = tpu.memref_slice %arg4[%arg1, %run_scoped3A_22, %dma_wait3A_144, %dma_wait3A_145] : memref<16x3x84x80xi32, #tpu.memory_space<hbm>> -> memref<1x1x84x80xi32, #tpu.memory_space<hbm>>
      %dma_wait3A_147 = tpu.memref_squeeze %dma_wait3A_146 : memref<1x1x84x80xi32, #tpu.memory_space<hbm>> -> memref<84x80xi32, #tpu.memory_space<hbm>>
      tpu.wait_dma2 semaphore(%run_scoped3A_131 : memref<!tpu.dma_semaphore, #tpu.memory_space<semaphore_mem>>) src(%dma_wait3A_147 : memref<84x80xi32, #tpu.memory_space<hbm>>) dst(%arg7 : memref<84x80xi32, #tpu.memory_space<vmem>>)
      tpu.yield
    }) : () -> ()
    %dma_start3A = arith.constant 0 : i32
    %dma_start3A_23 = arith.constant 0 : i32
    %dma_start3A_24 = tpu.memref_slice %arg6[%dma_start3A, %dma_start3A_23] : memref<84x80xi32, #tpu.memory_space<vmem>> -> memref<1x80xi32, #tpu.memory_space<vmem>>
    %dma_start3A_25 = tpu.memref_squeeze %dma_start3A_24 : memref<1x80xi32, #tpu.memory_space<vmem>> -> memref<80xi32, #tpu.memory_space<vmem>>
    %dma_start3A_26 = arith.constant 0 : i32
    %dma_start3A_27 = arith.constant 0 : i32
    %dma_start3A_28 = tpu.memref_slice %arg2[%dma_start3A_26, %dma_start3A_27] : memref<20000x64xf32, #tpu.memory_space<hbm>> -> memref<20000x64xf32, #tpu.memory_space<hbm>>
    tpu.enqueue_indirect_dma source(%dma_start3A_28 : memref<20000x64xf32, #tpu.memory_space<hbm>>) target(%arg8 : memref<80x64xf32, #tpu.memory_space<vmem>>) offsets(%dma_start3A_25 : memref<80xi32, #tpu.memory_space<vmem>>) semaphore(%arg13 : memref<!tpu.dma_semaphore, #tpu.memory_space<semaphore_mem>>)
    %dma_start3A_29 = arith.constant 1 : i32
    %dma_start3A_30 = arith.constant 0 : i32
    %dma_start3A_31 = tpu.memref_slice %arg6[%dma_start3A_29, %dma_start3A_30] : memref<84x80xi32, #tpu.memory_space<vmem>> -> memref<1x80xi32, #tpu.memory_space<vmem>>
    %dma_start3A_32 = tpu.memref_squeeze %dma_start3A_31 : memref<1x80xi32, #tpu.memory_space<vmem>> -> memref<80xi32, #tpu.memory_space<vmem>>
    %dma_start3A_33 = arith.constant 0 : i32
    %dma_start3A_34 = arith.constant 0 : i32
    %dma_start3A_35 = tpu.memref_slice %arg2[%dma_start3A_33, %dma_start3A_34] : memref<20000x64xf32, #tpu.memory_space<hbm>> -> memref<20000x64xf32, #tpu.memory_space<hbm>>
    tpu.enqueue_indirect_dma source(%dma_start3A_35 : memref<20000x64xf32, #tpu.memory_space<hbm>>) target(%arg9 : memref<80x64xf32, #tpu.memory_space<vmem>>) offsets(%dma_start3A_32 : memref<80xi32, #tpu.memory_space<vmem>>) semaphore(%arg13 : memref<!tpu.dma_semaphore, #tpu.memory_space<semaphore_mem>>)
    %dma_start3A_36 = arith.constant 2 : i32
    %dma_start3A_37 = arith.constant 0 : i32
    %dma_start3A_38 = tpu.memref_slice %arg6[%dma_start3A_36, %dma_start3A_37] : memref<84x80xi32, #tpu.memory_space<vmem>> -> memref<1x80xi32, #tpu.memory_space<vmem>>
    %dma_start3A_39 = tpu.memref_squeeze %dma_start3A_38 : memref<1x80xi32, #tpu.memory_space<vmem>> -> memref<80xi32, #tpu.memory_space<vmem>>
    %dma_start3A_40 = arith.constant 0 : i32
    %dma_start3A_41 = arith.constant 0 : i32
    %dma_start3A_42 = tpu.memref_slice %arg2[%dma_start3A_40, %dma_start3A_41] : memref<20000x64xf32, #tpu.memory_space<hbm>> -> memref<20000x64xf32, #tpu.memory_space<hbm>>
    tpu.enqueue_indirect_dma source(%dma_start3A_42 : memref<20000x64xf32, #tpu.memory_space<hbm>>) target(%arg10 : memref<80x64xf32, #tpu.memory_space<vmem>>) offsets(%dma_start3A_39 : memref<80xi32, #tpu.memory_space<vmem>>) semaphore(%arg13 : memref<!tpu.dma_semaphore, #tpu.memory_space<semaphore_mem>>)
    %scan3A_43 = arith.constant 0 : i32
    %scan3A_44 = arith.constant 0 : i32
    %scan3A_45 = arith.constant 21 : i32
    %scan3A_46 = arith.addi %scan3A_44, %scan3A_45 : i32
    %scan3A_47 = arith.constant 1 : i32
    scf.for %scan3A_131 = %scan3A_44 to %scan3A_46 step %scan3A_47  : i32 {
      %mul3A_132 = arith.constant 4 : i32
      %mul3A_133 = arith.muli %scan3A_131, %mul3A_132 : i32
      %add3A_134 = arith.constant 0 : i32
      %add3A_135 = arith.addi %mul3A_133, %add3A_134 : i32
      %dma_wait3A_136 = arith.constant 0 : i32
      %dma_wait3A_137 = tpu.memref_slice %arg6[%add3A_135, %dma_wait3A_136] : memref<84x80xi32, #tpu.memory_space<vmem>> -> memref<1x80xi32, #tpu.memory_space<vmem>>
      %dma_wait3A_138 = tpu.memref_squeeze %dma_wait3A_137 : memref<1x80xi32, #tpu.memory_space<vmem>> -> memref<80xi32, #tpu.memory_space<vmem>>
      %dma_wait3A_139 = arith.constant 0 : i32
      %dma_wait3A_140 = arith.constant 0 : i32
      %dma_wait3A_141 = tpu.memref_slice %arg2[%dma_wait3A_139, %dma_wait3A_140] : memref<20000x64xf32, #tpu.memory_space<hbm>> -> memref<20000x64xf32, #tpu.memory_space<hbm>>
      tpu.wait_indirect_dma semaphore(%arg13 : memref<!tpu.dma_semaphore, #tpu.memory_space<semaphore_mem>>) src(%dma_wait3A_141 : memref<20000x64xf32, #tpu.memory_space<hbm>>) dst(%arg8 : memref<80x64xf32, #tpu.memory_space<vmem>>)
      %ge3A = arith.constant 1 : i32
      %ge3A_142 = arith.cmpi sge, %add3A_135, %ge3A : i32
      %convert_element_type3A = arith.extui %ge3A_142 : i1 to i32
      %cond3A = arith.constant 0 : i32
      %cond3A_143 = arith.cmpi ne, %convert_element_type3A, %cond3A : i32
      scf.if %cond3A_143 {
        %sub3A_247 = arith.constant 1 : i32
        %sub3A_248 = arith.subi %add3A_135, %sub3A_247 : i32
        %dma_wait3A_249 = arith.constant 0 : i32
        %dma_wait3A_250 = tpu.memref_slice %arg7[%sub3A_248, %dma_wait3A_249] : memref<84x80xi32, #tpu.memory_space<vmem>> -> memref<1x80xi32, #tpu.memory_space<vmem>>
        %dma_wait3A_251 = tpu.memref_squeeze %dma_wait3A_250 : memref<1x80xi32, #tpu.memory_space<vmem>> -> memref<80xi32, #tpu.memory_space<vmem>>
        %dma_wait3A_252 = arith.constant 0 : i32
        %dma_wait3A_253 = arith.constant 0 : i32
        %dma_wait3A_254 = tpu.memref_slice %arg12[%dma_wait3A_252, %dma_wait3A_253] : memref<10256x64xf32, #tpu.memory_space<vmem_shared>> -> memref<10256x64xf32, #tpu.memory_space<vmem_shared>>
        tpu.wait_indirect_dma semaphore(%arg14 : memref<!tpu.dma_semaphore, #tpu.memory_space<semaphore_mem>>) src(%arg11 : memref<80x64xf32, #tpu.memory_space<vmem>>) dst(%dma_wait3A_254 : memref<10256x64xf32, #tpu.memory_space<vmem_shared>>)
      } else {
      }
      %add3A_144 = arith.constant 4 : i32
      %add3A_145 = arith.addi %add3A_135, %add3A_144 : i32
      %sub3A = arith.constant 1 : i32
      %sub3A_146 = arith.subi %add3A_145, %sub3A : i32
      %lt3A = arith.constant 84 : i32
      %lt3A_147 = arith.cmpi slt, %sub3A_146, %lt3A : i32
      %convert_element_type3A_148 = arith.extui %lt3A_147 : i1 to i32
      %cond3A_149 = arith.constant 0 : i32
      %cond3A_150 = arith.cmpi ne, %convert_element_type3A_148, %cond3A_149 : i32
      scf.if %cond3A_150 {
        %add3A_247 = arith.constant 4 : i32
        %add3A_248 = arith.addi %add3A_135, %add3A_247 : i32
        %sub3A_249 = arith.constant 1 : i32
        %sub3A_250 = arith.subi %add3A_248, %sub3A_249 : i32
        %dma_start3A_251 = arith.constant 0 : i32
        %dma_start3A_252 = tpu.memref_slice %arg6[%sub3A_250, %dma_start3A_251] : memref<84x80xi32, #tpu.memory_space<vmem>> -> memref<1x80xi32, #tpu.memory_space<vmem>>
        %dma_start3A_253 = tpu.memref_squeeze %dma_start3A_252 : memref<1x80xi32, #tpu.memory_space<vmem>> -> memref<80xi32, #tpu.memory_space<vmem>>
        %dma_start3A_254 = arith.constant 0 : i32
        %dma_start3A_255 = arith.constant 0 : i32
        %dma_start3A_256 = tpu.memref_slice %arg2[%dma_start3A_254, %dma_start3A_255] : memref<20000x64xf32, #tpu.memory_space<hbm>> -> memref<20000x64xf32, #tpu.memory_space<hbm>>
        tpu.enqueue_indirect_dma source(%dma_start3A_256 : memref<20000x64xf32, #tpu.memory_space<hbm>>) target(%arg11 : memref<80x64xf32, #tpu.memory_space<vmem>>) offsets(%dma_start3A_253 : memref<80xi32, #tpu.memory_space<vmem>>) semaphore(%arg13 : memref<!tpu.dma_semaphore, #tpu.memory_space<semaphore_mem>>)
      } else {
      }
      %dma_start3A_151 = arith.constant 0 : i32
      %dma_start3A_152 = tpu.memref_slice %arg7[%add3A_135, %dma_start3A_151] : memref<84x80xi32, #tpu.memory_space<vmem>> -> memref<1x80xi32, #tpu.memory_space<vmem>>
      %dma_start3A_153 = tpu.memref_squeeze %dma_start3A_152 : memref<1x80xi32, #tpu.memory_space<vmem>> -> memref<80xi32, #tpu.memory_space<vmem>>
      %dma_start3A_154 = arith.constant 0 : i32
      %dma_start3A_155 = arith.constant 0 : i32
      %dma_start3A_156 = tpu.memref_slice %arg12[%dma_start3A_154, %dma_start3A_155] : memref<10256x64xf32, #tpu.memory_space<vmem_shared>> -> memref<10256x64xf32, #tpu.memory_space<vmem_shared>>
      tpu.enqueue_indirect_dma source(%arg8 : memref<80x64xf32, #tpu.memory_space<vmem>>) target(%dma_start3A_156 : memref<10256x64xf32, #tpu.memory_space<vmem_shared>>) offsets(%dma_start3A_153 : memref<80xi32, #tpu.memory_space<vmem>>) semaphore(%arg14 : memref<!tpu.dma_semaphore, #tpu.memory_space<semaphore_mem>>) {add = true}
      %mul3A_157 = arith.constant 4 : i32
      %mul3A_158 = arith.muli %scan3A_131, %mul3A_157 : i32
      %add3A_159 = arith.constant 1 : i32
      %add3A_160 = arith.addi %mul3A_158, %add3A_159 : i32
      %dma_wait3A_161 = arith.constant 0 : i32
      %dma_wait3A_162 = tpu.memref_slice %arg6[%add3A_160, %dma_wait3A_161] : memref<84x80xi32, #tpu.memory_space<vmem>> -> memref<1x80xi32, #tpu.memory_space<vmem>>
      %dma_wait3A_163 = tpu.memref_squeeze %dma_wait3A_162 : memref<1x80xi32, #tpu.memory_space<vmem>> -> memref<80xi32, #tpu.memory_space<vmem>>
      %dma_wait3A_164 = arith.constant 0 : i32
      %dma_wait3A_165 = arith.constant 0 : i32
      %dma_wait3A_166 = tpu.memref_slice %arg2[%dma_wait3A_164, %dma_wait3A_165] : memref<20000x64xf32, #tpu.memory_space<hbm>> -> memref<20000x64xf32, #tpu.memory_space<hbm>>
      tpu.wait_indirect_dma semaphore(%arg13 : memref<!tpu.dma_semaphore, #tpu.memory_space<semaphore_mem>>) src(%dma_wait3A_166 : memref<20000x64xf32, #tpu.memory_space<hbm>>) dst(%arg9 : memref<80x64xf32, #tpu.memory_space<vmem>>)
      %ge3A_167 = arith.constant 1 : i32
      %ge3A_168 = arith.cmpi sge, %add3A_160, %ge3A_167 : i32
      %convert_element_type3A_169 = arith.extui %ge3A_168 : i1 to i32
      %cond3A_170 = arith.constant 0 : i32
      %cond3A_171 = arith.cmpi ne, %convert_element_type3A_169, %cond3A_170 : i32
      scf.if %cond3A_171 {
        %sub3A_247 = arith.constant 1 : i32
        %sub3A_248 = arith.subi %add3A_160, %sub3A_247 : i32
        %dma_wait3A_249 = arith.constant 0 : i32
        %dma_wait3A_250 = tpu.memref_slice %arg7[%sub3A_248, %dma_wait3A_249] : memref<84x80xi32, #tpu.memory_space<vmem>> -> memref<1x80xi32, #tpu.memory_space<vmem>>
        %dma_wait3A_251 = tpu.memref_squeeze %dma_wait3A_250 : memref<1x80xi32, #tpu.memory_space<vmem>> -> memref<80xi32, #tpu.memory_space<vmem>>
        %dma_wait3A_252 = arith.constant 0 : i32
        %dma_wait3A_253 = arith.constant 0 : i32
        %dma_wait3A_254 = tpu.memref_slice %arg12[%dma_wait3A_252, %dma_wait3A_253] : memref<10256x64xf32, #tpu.memory_space<vmem_shared>> -> memref<10256x64xf32, #tpu.memory_space<vmem_shared>>
        tpu.wait_indirect_dma semaphore(%arg14 : memref<!tpu.dma_semaphore, #tpu.memory_space<semaphore_mem>>) src(%arg8 : memref<80x64xf32, #tpu.memory_space<vmem>>) dst(%dma_wait3A_254 : memref<10256x64xf32, #tpu.memory_space<vmem_shared>>)
      } else {
      }
      %add3A_172 = arith.constant 4 : i32
      %add3A_173 = arith.addi %add3A_160, %add3A_172 : i32
      %sub3A_174 = arith.constant 1 : i32
      %sub3A_175 = arith.subi %add3A_173, %sub3A_174 : i32
      %lt3A_176 = arith.constant 84 : i32
      %lt3A_177 = arith.cmpi slt, %sub3A_175, %lt3A_176 : i32
      %convert_element_type3A_178 = arith.extui %lt3A_177 : i1 to i32
      %cond3A_179 = arith.constant 0 : i32
      %cond3A_180 = arith.cmpi ne, %convert_element_type3A_178, %cond3A_179 : i32
      scf.if %cond3A_180 {
        %add3A_247 = arith.constant 4 : i32
        %add3A_248 = arith.addi %add3A_160, %add3A_247 : i32
        %sub3A_249 = arith.constant 1 : i32
        %sub3A_250 = arith.subi %add3A_248, %sub3A_249 : i32
        %dma_start3A_251 = arith.constant 0 : i32
        %dma_start3A_252 = tpu.memref_slice %arg6[%sub3A_250, %dma_start3A_251] : memref<84x80xi32, #tpu.memory_space<vmem>> -> memref<1x80xi32, #tpu.memory_space<vmem>>
        %dma_start3A_253 = tpu.memref_squeeze %dma_start3A_252 : memref<1x80xi32, #tpu.memory_space<vmem>> -> memref<80xi32, #tpu.memory_space<vmem>>
        %dma_start3A_254 = arith.constant 0 : i32
        %dma_start3A_255 = arith.constant 0 : i32
        %dma_start3A_256 = tpu.memref_slice %arg2[%dma_start3A_254, %dma_start3A_255] : memref<20000x64xf32, #tpu.memory_space<hbm>> -> memref<20000x64xf32, #tpu.memory_space<hbm>>
        tpu.enqueue_indirect_dma source(%dma_start3A_256 : memref<20000x64xf32, #tpu.memory_space<hbm>>) target(%arg8 : memref<80x64xf32, #tpu.memory_space<vmem>>) offsets(%dma_start3A_253 : memref<80xi32, #tpu.memory_space<vmem>>) semaphore(%arg13 : memref<!tpu.dma_semaphore, #tpu.memory_space<semaphore_mem>>)
      } else {
      }
      %dma_start3A_181 = arith.constant 0 : i32
      %dma_start3A_182 = tpu.memref_slice %arg7[%add3A_160, %dma_start3A_181] : memref<84x80xi32, #tpu.memory_space<vmem>> -> memref<1x80xi32, #tpu.memory_space<vmem>>
      %dma_start3A_183 = tpu.memref_squeeze %dma_start3A_182 : memref<1x80xi32, #tpu.memory_space<vmem>> -> memref<80xi32, #tpu.memory_space<vmem>>
      %dma_start3A_184 = arith.constant 0 : i32
      %dma_start3A_185 = arith.constant 0 : i32
      %dma_start3A_186 = tpu.memref_slice %arg12[%dma_start3A_184, %dma_start3A_185] : memref<10256x64xf32, #tpu.memory_space<vmem_shared>> -> memref<10256x64xf32, #tpu.memory_space<vmem_shared>>
      tpu.enqueue_indirect_dma source(%arg9 : memref<80x64xf32, #tpu.memory_space<vmem>>) target(%dma_start3A_186 : memref<10256x64xf32, #tpu.memory_space<vmem_shared>>) offsets(%dma_start3A_183 : memref<80xi32, #tpu.memory_space<vmem>>) semaphore(%arg14 : memref<!tpu.dma_semaphore, #tpu.memory_space<semaphore_mem>>) {add = true}
      %mul3A_187 = arith.constant 4 : i32
      %mul3A_188 = arith.muli %scan3A_131, %mul3A_187 : i32
      %add3A_189 = arith.constant 2 : i32
      %add3A_190 = arith.addi %mul3A_188, %add3A_189 : i32
      %dma_wait3A_191 = arith.constant 0 : i32
      %dma_wait3A_192 = tpu.memref_slice %arg6[%add3A_190, %dma_wait3A_191] : memref<84x80xi32, #tpu.memory_space<vmem>> -> memref<1x80xi32, #tpu.memory_space<vmem>>
      %dma_wait3A_193 = tpu.memref_squeeze %dma_wait3A_192 : memref<1x80xi32, #tpu.memory_space<vmem>> -> memref<80xi32, #tpu.memory_space<vmem>>
      %dma_wait3A_194 = arith.constant 0 : i32
      %dma_wait3A_195 = arith.constant 0 : i32
      %dma_wait3A_196 = tpu.memref_slice %arg2[%dma_wait3A_194, %dma_wait3A_195] : memref<20000x64xf32, #tpu.memory_space<hbm>> -> memref<20000x64xf32, #tpu.memory_space<hbm>>
      tpu.wait_indirect_dma semaphore(%arg13 : memref<!tpu.dma_semaphore, #tpu.memory_space<semaphore_mem>>) src(%dma_wait3A_196 : memref<20000x64xf32, #tpu.memory_space<hbm>>) dst(%arg10 : memref<80x64xf32, #tpu.memory_space<vmem>>)
      %ge3A_197 = arith.constant 1 : i32
      %ge3A_198 = arith.cmpi sge, %add3A_190, %ge3A_197 : i32
      %convert_element_type3A_199 = arith.extui %ge3A_198 : i1 to i32
      %cond3A_200 = arith.constant 0 : i32
      %cond3A_201 = arith.cmpi ne, %convert_element_type3A_199, %cond3A_200 : i32
      scf.if %cond3A_201 {
        %sub3A_247 = arith.constant 1 : i32
        %sub3A_248 = arith.subi %add3A_190, %sub3A_247 : i32
        %dma_wait3A_249 = arith.constant 0 : i32
        %dma_wait3A_250 = tpu.memref_slice %arg7[%sub3A_248, %dma_wait3A_249] : memref<84x80xi32, #tpu.memory_space<vmem>> -> memref<1x80xi32, #tpu.memory_space<vmem>>
        %dma_wait3A_251 = tpu.memref_squeeze %dma_wait3A_250 : memref<1x80xi32, #tpu.memory_space<vmem>> -> memref<80xi32, #tpu.memory_space<vmem>>
        %dma_wait3A_252 = arith.constant 0 : i32
        %dma_wait3A_253 = arith.constant 0 : i32
        %dma_wait3A_254 = tpu.memref_slice %arg12[%dma_wait3A_252, %dma_wait3A_253] : memref<10256x64xf32, #tpu.memory_space<vmem_shared>> -> memref<10256x64xf32, #tpu.memory_space<vmem_shared>>
        tpu.wait_indirect_dma semaphore(%arg14 : memref<!tpu.dma_semaphore, #tpu.memory_space<semaphore_mem>>) src(%arg9 : memref<80x64xf32, #tpu.memory_space<vmem>>) dst(%dma_wait3A_254 : memref<10256x64xf32, #tpu.memory_space<vmem_shared>>)
      } else {
      }
      %add3A_202 = arith.constant 4 : i32
      %add3A_203 = arith.addi %add3A_190, %add3A_202 : i32
      %sub3A_204 = arith.constant 1 : i32
      %sub3A_205 = arith.subi %add3A_203, %sub3A_204 : i32
      %lt3A_206 = arith.constant 84 : i32
      %lt3A_207 = arith.cmpi slt, %sub3A_205, %lt3A_206 : i32
      %convert_element_type3A_208 = arith.extui %lt3A_207 : i1 to i32
      %cond3A_209 = arith.constant 0 : i32
      %cond3A_210 = arith.cmpi ne, %convert_element_type3A_208, %cond3A_209 : i32
      scf.if %cond3A_210 {
        %add3A_247 = arith.constant 4 : i32
        %add3A_248 = arith.addi %add3A_190, %add3A_247 : i32
        %sub3A_249 = arith.constant 1 : i32
        %sub3A_250 = arith.subi %add3A_248, %sub3A_249 : i32
        %dma_start3A_251 = arith.constant 0 : i32
        %dma_start3A_252 = tpu.memref_slice %arg6[%sub3A_250, %dma_start3A_251] : memref<84x80xi32, #tpu.memory_space<vmem>> -> memref<1x80xi32, #tpu.memory_space<vmem>>
        %dma_start3A_253 = tpu.memref_squeeze %dma_start3A_252 : memref<1x80xi32, #tpu.memory_space<vmem>> -> memref<80xi32, #tpu.memory_space<vmem>>
        %dma_start3A_254 = arith.constant 0 : i32
        %dma_start3A_255 = arith.constant 0 : i32
        %dma_start3A_256 = tpu.memref_slice %arg2[%dma_start3A_254, %dma_start3A_255] : memref<20000x64xf32, #tpu.memory_space<hbm>> -> memref<20000x64xf32, #tpu.memory_space<hbm>>
        tpu.enqueue_indirect_dma source(%dma_start3A_256 : memref<20000x64xf32, #tpu.memory_space<hbm>>) target(%arg9 : memref<80x64xf32, #tpu.memory_space<vmem>>) offsets(%dma_start3A_253 : memref<80xi32, #tpu.memory_space<vmem>>) semaphore(%arg13 : memref<!tpu.dma_semaphore, #tpu.memory_space<semaphore_mem>>)
      } else {
      }
      %dma_start3A_211 = arith.constant 0 : i32
      %dma_start3A_212 = tpu.memref_slice %arg7[%add3A_190, %dma_start3A_211] : memref<84x80xi32, #tpu.memory_space<vmem>> -> memref<1x80xi32, #tpu.memory_space<vmem>>
      %dma_start3A_213 = tpu.memref_squeeze %dma_start3A_212 : memref<1x80xi32, #tpu.memory_space<vmem>> -> memref<80xi32, #tpu.memory_space<vmem>>
      %dma_start3A_214 = arith.constant 0 : i32
      %dma_start3A_215 = arith.constant 0 : i32
      %dma_start3A_216 = tpu.memref_slice %arg12[%dma_start3A_214, %dma_start3A_215] : memref<10256x64xf32, #tpu.memory_space<vmem_shared>> -> memref<10256x64xf32, #tpu.memory_space<vmem_shared>>
      tpu.enqueue_indirect_dma source(%arg10 : memref<80x64xf32, #tpu.memory_space<vmem>>) target(%dma_start3A_216 : memref<10256x64xf32, #tpu.memory_space<vmem_shared>>) offsets(%dma_start3A_213 : memref<80xi32, #tpu.memory_space<vmem>>) semaphore(%arg14 : memref<!tpu.dma_semaphore, #tpu.memory_space<semaphore_mem>>) {add = true}
      %mul3A_217 = arith.constant 4 : i32
      %mul3A_218 = arith.muli %scan3A_131, %mul3A_217 : i32
      %add3A_219 = arith.constant 3 : i32
      %add3A_220 = arith.addi %mul3A_218, %add3A_219 : i32
      %dma_wait3A_221 = arith.constant 0 : i32
      %dma_wait3A_222 = tpu.memref_slice %arg6[%add3A_220, %dma_wait3A_221] : memref<84x80xi32, #tpu.memory_space<vmem>> -> memref<1x80xi32, #tpu.memory_space<vmem>>
      %dma_wait3A_223 = tpu.memref_squeeze %dma_wait3A_222 : memref<1x80xi32, #tpu.memory_space<vmem>> -> memref<80xi32, #tpu.memory_space<vmem>>
      %dma_wait3A_224 = arith.constant 0 : i32
      %dma_wait3A_225 = arith.constant 0 : i32
      %dma_wait3A_226 = tpu.memref_slice %arg2[%dma_wait3A_224, %dma_wait3A_225] : memref<20000x64xf32, #tpu.memory_space<hbm>> -> memref<20000x64xf32, #tpu.memory_space<hbm>>
      tpu.wait_indirect_dma semaphore(%arg13 : memref<!tpu.dma_semaphore, #tpu.memory_space<semaphore_mem>>) src(%dma_wait3A_226 : memref<20000x64xf32, #tpu.memory_space<hbm>>) dst(%arg11 : memref<80x64xf32, #tpu.memory_space<vmem>>)
      %ge3A_227 = arith.constant 1 : i32
      %ge3A_228 = arith.cmpi sge, %add3A_220, %ge3A_227 : i32
      %convert_element_type3A_229 = arith.extui %ge3A_228 : i1 to i32
      %cond3A_230 = arith.constant 0 : i32
      %cond3A_231 = arith.cmpi ne, %convert_element_type3A_229, %cond3A_230 : i32
      scf.if %cond3A_231 {
        %sub3A_247 = arith.constant 1 : i32
        %sub3A_248 = arith.subi %add3A_220, %sub3A_247 : i32
        %dma_wait3A_249 = arith.constant 0 : i32
        %dma_wait3A_250 = tpu.memref_slice %arg7[%sub3A_248, %dma_wait3A_249] : memref<84x80xi32, #tpu.memory_space<vmem>> -> memref<1x80xi32, #tpu.memory_space<vmem>>
        %dma_wait3A_251 = tpu.memref_squeeze %dma_wait3A_250 : memref<1x80xi32, #tpu.memory_space<vmem>> -> memref<80xi32, #tpu.memory_space<vmem>>
        %dma_wait3A_252 = arith.constant 0 : i32
        %dma_wait3A_253 = arith.constant 0 : i32
        %dma_wait3A_254 = tpu.memref_slice %arg12[%dma_wait3A_252, %dma_wait3A_253] : memref<10256x64xf32, #tpu.memory_space<vmem_shared>> -> memref<10256x64xf32, #tpu.memory_space<vmem_shared>>
        tpu.wait_indirect_dma semaphore(%arg14 : memref<!tpu.dma_semaphore, #tpu.memory_space<semaphore_mem>>) src(%arg10 : memref<80x64xf32, #tpu.memory_space<vmem>>) dst(%dma_wait3A_254 : memref<10256x64xf32, #tpu.memory_space<vmem_shared>>)
      } else {
      }
      %add3A_232 = arith.constant 4 : i32
      %add3A_233 = arith.addi %add3A_220, %add3A_232 : i32
      %sub3A_234 = arith.constant 1 : i32
      %sub3A_235 = arith.subi %add3A_233, %sub3A_234 : i32
      %lt3A_236 = arith.constant 84 : i32
      %lt3A_237 = arith.cmpi slt, %sub3A_235, %lt3A_236 : i32
      %convert_element_type3A_238 = arith.extui %lt3A_237 : i1 to i32
      %cond3A_239 = arith.constant 0 : i32
      %cond3A_240 = arith.cmpi ne, %convert_element_type3A_238, %cond3A_239 : i32
      scf.if %cond3A_240 {
        %add3A_247 = arith.constant 4 : i32
        %add3A_248 = arith.addi %add3A_220, %add3A_247 : i32
        %sub3A_249 = arith.constant 1 : i32
        %sub3A_250 = arith.subi %add3A_248, %sub3A_249 : i32
        %dma_start3A_251 = arith.constant 0 : i32
        %dma_start3A_252 = tpu.memref_slice %arg6[%sub3A_250, %dma_start3A_251] : memref<84x80xi32, #tpu.memory_space<vmem>> -> memref<1x80xi32, #tpu.memory_space<vmem>>
        %dma_start3A_253 = tpu.memref_squeeze %dma_start3A_252 : memref<1x80xi32, #tpu.memory_space<vmem>> -> memref<80xi32, #tpu.memory_space<vmem>>
        %dma_start3A_254 = arith.constant 0 : i32
        %dma_start3A_255 = arith.constant 0 : i32
        %dma_start3A_256 = tpu.memref_slice %arg2[%dma_start3A_254, %dma_start3A_255] : memref<20000x64xf32, #tpu.memory_space<hbm>> -> memref<20000x64xf32, #tpu.memory_space<hbm>>
        tpu.enqueue_indirect_dma source(%dma_start3A_256 : memref<20000x64xf32, #tpu.memory_space<hbm>>) target(%arg10 : memref<80x64xf32, #tpu.memory_space<vmem>>) offsets(%dma_start3A_253 : memref<80xi32, #tpu.memory_space<vmem>>) semaphore(%arg13 : memref<!tpu.dma_semaphore, #tpu.memory_space<semaphore_mem>>)
      } else {
      }
      %dma_start3A_241 = arith.constant 0 : i32
      %dma_start3A_242 = tpu.memref_slice %arg7[%add3A_220, %dma_start3A_241] : memref<84x80xi32, #tpu.memory_space<vmem>> -> memref<1x80xi32, #tpu.memory_space<vmem>>
      %dma_start3A_243 = tpu.memref_squeeze %dma_start3A_242 : memref<1x80xi32, #tpu.memory_space<vmem>> -> memref<80xi32, #tpu.memory_space<vmem>>
      %dma_start3A_244 = arith.constant 0 : i32
      %dma_start3A_245 = arith.constant 0 : i32
      %dma_start3A_246 = tpu.memref_slice %arg12[%dma_start3A_244, %dma_start3A_245] : memref<10256x64xf32, #tpu.memory_space<vmem_shared>> -> memref<10256x64xf32, #tpu.memory_space<vmem_shared>>
      tpu.enqueue_indirect_dma source(%arg11 : memref<80x64xf32, #tpu.memory_space<vmem>>) target(%dma_start3A_246 : memref<10256x64xf32, #tpu.memory_space<vmem_shared>>) offsets(%dma_start3A_243 : memref<80xi32, #tpu.memory_space<vmem>>) semaphore(%arg14 : memref<!tpu.dma_semaphore, #tpu.memory_space<semaphore_mem>>) {add = true}
    }
    %scan3A_48 = arith.constant 21 : i32
    %dma_wait3A = arith.constant 83 : i32
    %dma_wait3A_49 = arith.constant 0 : i32
    %dma_wait3A_50 = tpu.memref_slice %arg7[%dma_wait3A, %dma_wait3A_49] : memref<84x80xi32, #tpu.memory_space<vmem>> -> memref<1x80xi32, #tpu.memory_space<vmem>>
    %dma_wait3A_51 = tpu.memref_squeeze %dma_wait3A_50 : memref<1x80xi32, #tpu.memory_space<vmem>> -> memref<80xi32, #tpu.memory_space<vmem>>
    %dma_wait3A_52 = arith.constant 0 : i32
    %dma_wait3A_53 = arith.constant 0 : i32
    %dma_wait3A_54 = tpu.memref_slice %arg12[%dma_wait3A_52, %dma_wait3A_53] : memref<10256x64xf32, #tpu.memory_space<vmem_shared>> -> memref<10256x64xf32, #tpu.memory_space<vmem_shared>>
    tpu.wait_indirect_dma semaphore(%arg14 : memref<!tpu.dma_semaphore, #tpu.memory_space<semaphore_mem>>) src(%arg11 : memref<80x64xf32, #tpu.memory_space<vmem>>) dst(%dma_wait3A_54 : memref<10256x64xf32, #tpu.memory_space<vmem_shared>>)
    %run_scoped3A_55 = arith.constant 1 : i32
    "tpu.region"() ({
      %run_scoped3A_131 = tpu.sem_alloc : memref<!tpu.dma_semaphore, #tpu.memory_space<semaphore_mem>>
      %dma_start3A_132 = arith.constant 0 : i32
      %dma_start3A_133 = arith.constant 0 : i32
      %dma_start3A_134 = tpu.memref_slice %arg3[%arg0, %arg1, %run_scoped3A_55, %dma_start3A_132, %dma_start3A_133] : memref<2x16x3x84x80xi32, #tpu.memory_space<hbm>> -> memref<1x1x1x84x80xi32, #tpu.memory_space<hbm>>
      %dma_start3A_135 = tpu.memref_squeeze %dma_start3A_134 : memref<1x1x1x84x80xi32, #tpu.memory_space<hbm>> -> memref<84x80xi32, #tpu.memory_space<hbm>>
      %dma_start3A_136 = arith.constant 0 : i32
      %dma_start3A_137 = arith.constant 0 : i32
      %dma_start3A_138 = tpu.memref_slice %arg3[%arg0, %arg1, %run_scoped3A_55, %dma_start3A_136, %dma_start3A_137] : memref<2x16x3x84x80xi32, #tpu.memory_space<hbm>> -> memref<1x1x1x84x80xi32, #tpu.memory_space<hbm>>
      %dma_start3A_139 = tpu.memref_squeeze %dma_start3A_138 : memref<1x1x1x84x80xi32, #tpu.memory_space<hbm>> -> memref<84x80xi32, #tpu.memory_space<hbm>>
      tpu.enqueue_dma source(%dma_start3A_139 : memref<84x80xi32, #tpu.memory_space<hbm>>) target(%arg6 : memref<84x80xi32, #tpu.memory_space<vmem>>) target_semaphore(%run_scoped3A_131 : memref<!tpu.dma_semaphore, #tpu.memory_space<semaphore_mem>>)
      %dma_wait3A_140 = arith.constant 0 : i32
      %dma_wait3A_141 = arith.constant 0 : i32
      %dma_wait3A_142 = tpu.memref_slice %arg3[%arg0, %arg1, %run_scoped3A_55, %dma_wait3A_140, %dma_wait3A_141] : memref<2x16x3x84x80xi32, #tpu.memory_space<hbm>> -> memref<1x1x1x84x80xi32, #tpu.memory_space<hbm>>
      %dma_wait3A_143 = tpu.memref_squeeze %dma_wait3A_142 : memref<1x1x1x84x80xi32, #tpu.memory_space<hbm>> -> memref<84x80xi32, #tpu.memory_space<hbm>>
      %dma_wait3A_144 = arith.constant 0 : i32
      %dma_wait3A_145 = arith.constant 0 : i32
      %dma_wait3A_146 = tpu.memref_slice %arg3[%arg0, %arg1, %run_scoped3A_55, %dma_wait3A_144, %dma_wait3A_145] : memref<2x16x3x84x80xi32, #tpu.memory_space<hbm>> -> memref<1x1x1x84x80xi32, #tpu.memory_space<hbm>>
      %dma_wait3A_147 = tpu.memref_squeeze %dma_wait3A_146 : memref<1x1x1x84x80xi32, #tpu.memory_space<hbm>> -> memref<84x80xi32, #tpu.memory_space<hbm>>
      tpu.wait_dma2 semaphore(%run_scoped3A_131 : memref<!tpu.dma_semaphore, #tpu.memory_space<semaphore_mem>>) src(%dma_wait3A_147 : memref<84x80xi32, #tpu.memory_space<hbm>>) dst(%arg6 : memref<84x80xi32, #tpu.memory_space<vmem>>)
      tpu.yield
    }) : () -> ()
    %run_scoped3A_56 = arith.constant 1 : i32
    "tpu.region"() ({
      %run_scoped3A_131 = tpu.sem_alloc : memref<!tpu.dma_semaphore, #tpu.memory_space<semaphore_mem>>
      %dma_start3A_132 = arith.constant 0 : i32
      %dma_start3A_133 = arith.constant 0 : i32
      %dma_start3A_134 = tpu.memref_slice %arg4[%arg1, %run_scoped3A_56, %dma_start3A_132, %dma_start3A_133] : memref<16x3x84x80xi32, #tpu.memory_space<hbm>> -> memref<1x1x84x80xi32, #tpu.memory_space<hbm>>
      %dma_start3A_135 = tpu.memref_squeeze %dma_start3A_134 : memref<1x1x84x80xi32, #tpu.memory_space<hbm>> -> memref<84x80xi32, #tpu.memory_space<hbm>>
      %dma_start3A_136 = arith.constant 0 : i32
      %dma_start3A_137 = arith.constant 0 : i32
      %dma_start3A_138 = tpu.memref_slice %arg4[%arg1, %run_scoped3A_56, %dma_start3A_136, %dma_start3A_137] : memref<16x3x84x80xi32, #tpu.memory_space<hbm>> -> memref<1x1x84x80xi32, #tpu.memory_space<hbm>>
      %dma_start3A_139 = tpu.memref_squeeze %dma_start3A_138 : memref<1x1x84x80xi32, #tpu.memory_space<hbm>> -> memref<84x80xi32, #tpu.memory_space<hbm>>
      tpu.enqueue_dma source(%dma_start3A_139 : memref<84x80xi32, #tpu.memory_space<hbm>>) target(%arg7 : memref<84x80xi32, #tpu.memory_space<vmem>>) target_semaphore(%run_scoped3A_131 : memref<!tpu.dma_semaphore, #tpu.memory_space<semaphore_mem>>)
      %dma_wait3A_140 = arith.constant 0 : i32
      %dma_wait3A_141 = arith.constant 0 : i32
      %dma_wait3A_142 = tpu.memref_slice %arg4[%arg1, %run_scoped3A_56, %dma_wait3A_140, %dma_wait3A_141] : memref<16x3x84x80xi32, #tpu.memory_space<hbm>> -> memref<1x1x84x80xi32, #tpu.memory_space<hbm>>
      %dma_wait3A_143 = tpu.memref_squeeze %dma_wait3A_142 : memref<1x1x84x80xi32, #tpu.memory_space<hbm>> -> memref<84x80xi32, #tpu.memory_space<hbm>>
      %dma_wait3A_144 = arith.constant 0 : i32
      %dma_wait3A_145 = arith.constant 0 : i32
      %dma_wait3A_146 = tpu.memref_slice %arg4[%arg1, %run_scoped3A_56, %dma_wait3A_144, %dma_wait3A_145] : memref<16x3x84x80xi32, #tpu.memory_space<hbm>> -> memref<1x1x84x80xi32, #tpu.memory_space<hbm>>
      %dma_wait3A_147 = tpu.memref_squeeze %dma_wait3A_146 : memref<1x1x84x80xi32, #tpu.memory_space<hbm>> -> memref<84x80xi32, #tpu.memory_space<hbm>>
      tpu.wait_dma2 semaphore(%run_scoped3A_131 : memref<!tpu.dma_semaphore, #tpu.memory_space<semaphore_mem>>) src(%dma_wait3A_147 : memref<84x80xi32, #tpu.memory_space<hbm>>) dst(%arg7 : memref<84x80xi32, #tpu.memory_space<vmem>>)
      tpu.yield
    }) : () -> ()
    %dma_start3A_57 = arith.constant 0 : i32
    %dma_start3A_58 = arith.constant 0 : i32
    %dma_start3A_59 = tpu.memref_slice %arg6[%dma_start3A_57, %dma_start3A_58] : memref<84x80xi32, #tpu.memory_space<vmem>> -> memref<1x80xi32, #tpu.memory_space<vmem>>
    %dma_start3A_60 = tpu.memref_squeeze %dma_start3A_59 : memref<1x80xi32, #tpu.memory_space<vmem>> -> memref<80xi32, #tpu.memory_space<vmem>>
    %dma_start3A_61 = arith.constant 0 : i32
    %dma_start3A_62 = arith.constant 0 : i32
    %dma_start3A_63 = tpu.memref_slice %arg2[%dma_start3A_61, %dma_start3A_62] : memref<20000x64xf32, #tpu.memory_space<hbm>> -> memref<20000x64xf32, #tpu.memory_space<hbm>>
    tpu.enqueue_indirect_dma source(%dma_start3A_63 : memref<20000x64xf32, #tpu.memory_space<hbm>>) target(%arg8 : memref<80x64xf32, #tpu.memory_space<vmem>>) offsets(%dma_start3A_60 : memref<80xi32, #tpu.memory_space<vmem>>) semaphore(%arg13 : memref<!tpu.dma_semaphore, #tpu.memory_space<semaphore_mem>>)
    %dma_start3A_64 = arith.constant 1 : i32
    %dma_start3A_65 = arith.constant 0 : i32
    %dma_start3A_66 = tpu.memref_slice %arg6[%dma_start3A_64, %dma_start3A_65] : memref<84x80xi32, #tpu.memory_space<vmem>> -> memref<1x80xi32, #tpu.memory_space<vmem>>
    %dma_start3A_67 = tpu.memref_squeeze %dma_start3A_66 : memref<1x80xi32, #tpu.memory_space<vmem>> -> memref<80xi32, #tpu.memory_space<vmem>>
    %dma_start3A_68 = arith.constant 0 : i32
    %dma_start3A_69 = arith.constant 0 : i32
    %dma_start3A_70 = tpu.memref_slice %arg2[%dma_start3A_68, %dma_start3A_69] : memref<20000x64xf32, #tpu.memory_space<hbm>> -> memref<20000x64xf32, #tpu.memory_space<hbm>>
    tpu.enqueue_indirect_dma source(%dma_start3A_70 : memref<20000x64xf32, #tpu.memory_space<hbm>>) target(%arg9 : memref<80x64xf32, #tpu.memory_space<vmem>>) offsets(%dma_start3A_67 : memref<80xi32, #tpu.memory_space<vmem>>) semaphore(%arg13 : memref<!tpu.dma_semaphore, #tpu.memory_space<semaphore_mem>>)
    %dma_start3A_71 = arith.constant 2 : i32
    %dma_start3A_72 = arith.constant 0 : i32
    %dma_start3A_73 = tpu.memref_slice %arg6[%dma_start3A_71, %dma_start3A_72] : memref<84x80xi32, #tpu.memory_space<vmem>> -> memref<1x80xi32, #tpu.memory_space<vmem>>
    %dma_start3A_74 = tpu.memref_squeeze %dma_start3A_73 : memref<1x80xi32, #tpu.memory_space<vmem>> -> memref<80xi32, #tpu.memory_space<vmem>>
    %dma_start3A_75 = arith.constant 0 : i32
    %dma_start3A_76 = arith.constant 0 : i32
    %dma_start3A_77 = tpu.memref_slice %arg2[%dma_start3A_75, %dma_start3A_76] : memref<20000x64xf32, #tpu.memory_space<hbm>> -> memref<20000x64xf32, #tpu.memory_space<hbm>>
    tpu.enqueue_indirect_dma source(%dma_start3A_77 : memref<20000x64xf32, #tpu.memory_space<hbm>>) target(%arg10 : memref<80x64xf32, #tpu.memory_space<vmem>>) offsets(%dma_start3A_74 : memref<80xi32, #tpu.memory_space<vmem>>) semaphore(%arg13 : memref<!tpu.dma_semaphore, #tpu.memory_space<semaphore_mem>>)
    %scan3A_78 = arith.constant 0 : i32
    %scan3A_79 = arith.constant 0 : i32
    %scan3A_80 = arith.constant 21 : i32
    %scan3A_81 = arith.addi %scan3A_79, %scan3A_80 : i32
    %scan3A_82 = arith.constant 1 : i32
    scf.for %scan3A_131 = %scan3A_79 to %scan3A_81 step %scan3A_82  : i32 {
      %mul3A_132 = arith.constant 4 : i32
      %mul3A_133 = arith.muli %scan3A_131, %mul3A_132 : i32
      %add3A_134 = arith.constant 0 : i32
      %add3A_135 = arith.addi %mul3A_133, %add3A_134 : i32
      %dma_wait3A_136 = arith.constant 0 : i32
      %dma_wait3A_137 = tpu.memref_slice %arg6[%add3A_135, %dma_wait3A_136] : memref<84x80xi32, #tpu.memory_space<vmem>> -> memref<1x80xi32, #tpu.memory_space<vmem>>
      %dma_wait3A_138 = tpu.memref_squeeze %dma_wait3A_137 : memref<1x80xi32, #tpu.memory_space<vmem>> -> memref<80xi32, #tpu.memory_space<vmem>>
      %dma_wait3A_139 = arith.constant 0 : i32
      %dma_wait3A_140 = arith.constant 0 : i32
      %dma_wait3A_141 = tpu.memref_slice %arg2[%dma_wait3A_139, %dma_wait3A_140] : memref<20000x64xf32, #tpu.memory_space<hbm>> -> memref<20000x64xf32, #tpu.memory_space<hbm>>
      tpu.wait_indirect_dma semaphore(%arg13 : memref<!tpu.dma_semaphore, #tpu.memory_space<semaphore_mem>>) src(%dma_wait3A_141 : memref<20000x64xf32, #tpu.memory_space<hbm>>) dst(%arg8 : memref<80x64xf32, #tpu.memory_space<vmem>>)
      %ge3A = arith.constant 1 : i32
      %ge3A_142 = arith.cmpi sge, %add3A_135, %ge3A : i32
      %convert_element_type3A = arith.extui %ge3A_142 : i1 to i32
      %cond3A = arith.constant 0 : i32
      %cond3A_143 = arith.cmpi ne, %convert_element_type3A, %cond3A : i32
      scf.if %cond3A_143 {
        %sub3A_247 = arith.constant 1 : i32
        %sub3A_248 = arith.subi %add3A_135, %sub3A_247 : i32
        %dma_wait3A_249 = arith.constant 0 : i32
        %dma_wait3A_250 = tpu.memref_slice %arg7[%sub3A_248, %dma_wait3A_249] : memref<84x80xi32, #tpu.memory_space<vmem>> -> memref<1x80xi32, #tpu.memory_space<vmem>>
        %dma_wait3A_251 = tpu.memref_squeeze %dma_wait3A_250 : memref<1x80xi32, #tpu.memory_space<vmem>> -> memref<80xi32, #tpu.memory_space<vmem>>
        %dma_wait3A_252 = arith.constant 0 : i32
        %dma_wait3A_253 = arith.constant 0 : i32
        %dma_wait3A_254 = tpu.memref_slice %arg12[%dma_wait3A_252, %dma_wait3A_253] : memref<10256x64xf32, #tpu.memory_space<vmem_shared>> -> memref<10256x64xf32, #tpu.memory_space<vmem_shared>>
        tpu.wait_indirect_dma semaphore(%arg14 : memref<!tpu.dma_semaphore, #tpu.memory_space<semaphore_mem>>) src(%arg11 : memref<80x64xf32, #tpu.memory_space<vmem>>) dst(%dma_wait3A_254 : memref<10256x64xf32, #tpu.memory_space<vmem_shared>>)
      } else {
      }
      %add3A_144 = arith.constant 4 : i32
      %add3A_145 = arith.addi %add3A_135, %add3A_144 : i32
      %sub3A = arith.constant 1 : i32
      %sub3A_146 = arith.subi %add3A_145, %sub3A : i32
      %lt3A = arith.constant 84 : i32
      %lt3A_147 = arith.cmpi slt, %sub3A_146, %lt3A : i32
      %convert_element_type3A_148 = arith.extui %lt3A_147 : i1 to i32
      %cond3A_149 = arith.constant 0 : i32
      %cond3A_150 = arith.cmpi ne, %convert_element_type3A_148, %cond3A_149 : i32
      scf.if %cond3A_150 {
        %add3A_247 = arith.constant 4 : i32
        %add3A_248 = arith.addi %add3A_135, %add3A_247 : i32
        %sub3A_249 = arith.constant 1 : i32
        %sub3A_250 = arith.subi %add3A_248, %sub3A_249 : i32
        %dma_start3A_251 = arith.constant 0 : i32
        %dma_start3A_252 = tpu.memref_slice %arg6[%sub3A_250, %dma_start3A_251] : memref<84x80xi32, #tpu.memory_space<vmem>> -> memref<1x80xi32, #tpu.memory_space<vmem>>
        %dma_start3A_253 = tpu.memref_squeeze %dma_start3A_252 : memref<1x80xi32, #tpu.memory_space<vmem>> -> memref<80xi32, #tpu.memory_space<vmem>>
        %dma_start3A_254 = arith.constant 0 : i32
        %dma_start3A_255 = arith.constant 0 : i32
        %dma_start3A_256 = tpu.memref_slice %arg2[%dma_start3A_254, %dma_start3A_255] : memref<20000x64xf32, #tpu.memory_space<hbm>> -> memref<20000x64xf32, #tpu.memory_space<hbm>>
        tpu.enqueue_indirect_dma source(%dma_start3A_256 : memref<20000x64xf32, #tpu.memory_space<hbm>>) target(%arg11 : memref<80x64xf32, #tpu.memory_space<vmem>>) offsets(%dma_start3A_253 : memref<80xi32, #tpu.memory_space<vmem>>) semaphore(%arg13 : memref<!tpu.dma_semaphore, #tpu.memory_space<semaphore_mem>>)
      } else {
      }
      %dma_start3A_151 = arith.constant 0 : i32
      %dma_start3A_152 = tpu.memref_slice %arg7[%add3A_135, %dma_start3A_151] : memref<84x80xi32, #tpu.memory_space<vmem>> -> memref<1x80xi32, #tpu.memory_space<vmem>>
      %dma_start3A_153 = tpu.memref_squeeze %dma_start3A_152 : memref<1x80xi32, #tpu.memory_space<vmem>> -> memref<80xi32, #tpu.memory_space<vmem>>
      %dma_start3A_154 = arith.constant 0 : i32
      %dma_start3A_155 = arith.constant 0 : i32
      %dma_start3A_156 = tpu.memref_slice %arg12[%dma_start3A_154, %dma_start3A_155] : memref<10256x64xf32, #tpu.memory_space<vmem_shared>> -> memref<10256x64xf32, #tpu.memory_space<vmem_shared>>
      tpu.enqueue_indirect_dma source(%arg8 : memref<80x64xf32, #tpu.memory_space<vmem>>) target(%dma_start3A_156 : memref<10256x64xf32, #tpu.memory_space<vmem_shared>>) offsets(%dma_start3A_153 : memref<80xi32, #tpu.memory_space<vmem>>) semaphore(%arg14 : memref<!tpu.dma_semaphore, #tpu.memory_space<semaphore_mem>>) {add = true}
      %mul3A_157 = arith.constant 4 : i32
      %mul3A_158 = arith.muli %scan3A_131, %mul3A_157 : i32
      %add3A_159 = arith.constant 1 : i32
      %add3A_160 = arith.addi %mul3A_158, %add3A_159 : i32
      %dma_wait3A_161 = arith.constant 0 : i32
      %dma_wait3A_162 = tpu.memref_slice %arg6[%add3A_160, %dma_wait3A_161] : memref<84x80xi32, #tpu.memory_space<vmem>> -> memref<1x80xi32, #tpu.memory_space<vmem>>
      %dma_wait3A_163 = tpu.memref_squeeze %dma_wait3A_162 : memref<1x80xi32, #tpu.memory_space<vmem>> -> memref<80xi32, #tpu.memory_space<vmem>>
      %dma_wait3A_164 = arith.constant 0 : i32
      %dma_wait3A_165 = arith.constant 0 : i32
      %dma_wait3A_166 = tpu.memref_slice %arg2[%dma_wait3A_164, %dma_wait3A_165] : memref<20000x64xf32, #tpu.memory_space<hbm>> -> memref<20000x64xf32, #tpu.memory_space<hbm>>
      tpu.wait_indirect_dma semaphore(%arg13 : memref<!tpu.dma_semaphore, #tpu.memory_space<semaphore_mem>>) src(%dma_wait3A_166 : memref<20000x64xf32, #tpu.memory_space<hbm>>) dst(%arg9 : memref<80x64xf32, #tpu.memory_space<vmem>>)
      %ge3A_167 = arith.constant 1 : i32
      %ge3A_168 = arith.cmpi sge, %add3A_160, %ge3A_167 : i32
      %convert_element_type3A_169 = arith.extui %ge3A_168 : i1 to i32
      %cond3A_170 = arith.constant 0 : i32
      %cond3A_171 = arith.cmpi ne, %convert_element_type3A_169, %cond3A_170 : i32
      scf.if %cond3A_171 {
        %sub3A_247 = arith.constant 1 : i32
        %sub3A_248 = arith.subi %add3A_160, %sub3A_247 : i32
        %dma_wait3A_249 = arith.constant 0 : i32
        %dma_wait3A_250 = tpu.memref_slice %arg7[%sub3A_248, %dma_wait3A_249] : memref<84x80xi32, #tpu.memory_space<vmem>> -> memref<1x80xi32, #tpu.memory_space<vmem>>
        %dma_wait3A_251 = tpu.memref_squeeze %dma_wait3A_250 : memref<1x80xi32, #tpu.memory_space<vmem>> -> memref<80xi32, #tpu.memory_space<vmem>>
        %dma_wait3A_252 = arith.constant 0 : i32
        %dma_wait3A_253 = arith.constant 0 : i32
        %dma_wait3A_254 = tpu.memref_slice %arg12[%dma_wait3A_252, %dma_wait3A_253] : memref<10256x64xf32, #tpu.memory_space<vmem_shared>> -> memref<10256x64xf32, #tpu.memory_space<vmem_shared>>
        tpu.wait_indirect_dma semaphore(%arg14 : memref<!tpu.dma_semaphore, #tpu.memory_space<semaphore_mem>>) src(%arg8 : memref<80x64xf32, #tpu.memory_space<vmem>>) dst(%dma_wait3A_254 : memref<10256x64xf32, #tpu.memory_space<vmem_shared>>)
      } else {
      }
      %add3A_172 = arith.constant 4 : i32
      %add3A_173 = arith.addi %add3A_160, %add3A_172 : i32
      %sub3A_174 = arith.constant 1 : i32
      %sub3A_175 = arith.subi %add3A_173, %sub3A_174 : i32
      %lt3A_176 = arith.constant 84 : i32
      %lt3A_177 = arith.cmpi slt, %sub3A_175, %lt3A_176 : i32
      %convert_element_type3A_178 = arith.extui %lt3A_177 : i1 to i32
      %cond3A_179 = arith.constant 0 : i32
      %cond3A_180 = arith.cmpi ne, %convert_element_type3A_178, %cond3A_179 : i32
      scf.if %cond3A_180 {
        %add3A_247 = arith.constant 4 : i32
        %add3A_248 = arith.addi %add3A_160, %add3A_247 : i32
        %sub3A_249 = arith.constant 1 : i32
        %sub3A_250 = arith.subi %add3A_248, %sub3A_249 : i32
        %dma_start3A_251 = arith.constant 0 : i32
        %dma_start3A_252 = tpu.memref_slice %arg6[%sub3A_250, %dma_start3A_251] : memref<84x80xi32, #tpu.memory_space<vmem>> -> memref<1x80xi32, #tpu.memory_space<vmem>>
        %dma_start3A_253 = tpu.memref_squeeze %dma_start3A_252 : memref<1x80xi32, #tpu.memory_space<vmem>> -> memref<80xi32, #tpu.memory_space<vmem>>
        %dma_start3A_254 = arith.constant 0 : i32
        %dma_start3A_255 = arith.constant 0 : i32
        %dma_start3A_256 = tpu.memref_slice %arg2[%dma_start3A_254, %dma_start3A_255] : memref<20000x64xf32, #tpu.memory_space<hbm>> -> memref<20000x64xf32, #tpu.memory_space<hbm>>
        tpu.enqueue_indirect_dma source(%dma_start3A_256 : memref<20000x64xf32, #tpu.memory_space<hbm>>) target(%arg8 : memref<80x64xf32, #tpu.memory_space<vmem>>) offsets(%dma_start3A_253 : memref<80xi32, #tpu.memory_space<vmem>>) semaphore(%arg13 : memref<!tpu.dma_semaphore, #tpu.memory_space<semaphore_mem>>)
      } else {
      }
      %dma_start3A_181 = arith.constant 0 : i32
      %dma_start3A_182 = tpu.memref_slice %arg7[%add3A_160, %dma_start3A_181] : memref<84x80xi32, #tpu.memory_space<vmem>> -> memref<1x80xi32, #tpu.memory_space<vmem>>
      %dma_start3A_183 = tpu.memref_squeeze %dma_start3A_182 : memref<1x80xi32, #tpu.memory_space<vmem>> -> memref<80xi32, #tpu.memory_space<vmem>>
      %dma_start3A_184 = arith.constant 0 : i32
      %dma_start3A_185 = arith.constant 0 : i32
      %dma_start3A_186 = tpu.memref_slice %arg12[%dma_start3A_184, %dma_start3A_185] : memref<10256x64xf32, #tpu.memory_space<vmem_shared>> -> memref<10256x64xf32, #tpu.memory_space<vmem_shared>>
      tpu.enqueue_indirect_dma source(%arg9 : memref<80x64xf32, #tpu.memory_space<vmem>>) target(%dma_start3A_186 : memref<10256x64xf32, #tpu.memory_space<vmem_shared>>) offsets(%dma_start3A_183 : memref<80xi32, #tpu.memory_space<vmem>>) semaphore(%arg14 : memref<!tpu.dma_semaphore, #tpu.memory_space<semaphore_mem>>) {add = true}
      %mul3A_187 = arith.constant 4 : i32
      %mul3A_188 = arith.muli %scan3A_131, %mul3A_187 : i32
      %add3A_189 = arith.constant 2 : i32
      %add3A_190 = arith.addi %mul3A_188, %add3A_189 : i32
      %dma_wait3A_191 = arith.constant 0 : i32
      %dma_wait3A_192 = tpu.memref_slice %arg6[%add3A_190, %dma_wait3A_191] : memref<84x80xi32, #tpu.memory_space<vmem>> -> memref<1x80xi32, #tpu.memory_space<vmem>>
      %dma_wait3A_193 = tpu.memref_squeeze %dma_wait3A_192 : memref<1x80xi32, #tpu.memory_space<vmem>> -> memref<80xi32, #tpu.memory_space<vmem>>
      %dma_wait3A_194 = arith.constant 0 : i32
      %dma_wait3A_195 = arith.constant 0 : i32
      %dma_wait3A_196 = tpu.memref_slice %arg2[%dma_wait3A_194, %dma_wait3A_195] : memref<20000x64xf32, #tpu.memory_space<hbm>> -> memref<20000x64xf32, #tpu.memory_space<hbm>>
      tpu.wait_indirect_dma semaphore(%arg13 : memref<!tpu.dma_semaphore, #tpu.memory_space<semaphore_mem>>) src(%dma_wait3A_196 : memref<20000x64xf32, #tpu.memory_space<hbm>>) dst(%arg10 : memref<80x64xf32, #tpu.memory_space<vmem>>)
      %ge3A_197 = arith.constant 1 : i32
      %ge3A_198 = arith.cmpi sge, %add3A_190, %ge3A_197 : i32
      %convert_element_type3A_199 = arith.extui %ge3A_198 : i1 to i32
      %cond3A_200 = arith.constant 0 : i32
      %cond3A_201 = arith.cmpi ne, %convert_element_type3A_199, %cond3A_200 : i32
      scf.if %cond3A_201 {
        %sub3A_247 = arith.constant 1 : i32
        %sub3A_248 = arith.subi %add3A_190, %sub3A_247 : i32
        %dma_wait3A_249 = arith.constant 0 : i32
        %dma_wait3A_250 = tpu.memref_slice %arg7[%sub3A_248, %dma_wait3A_249] : memref<84x80xi32, #tpu.memory_space<vmem>> -> memref<1x80xi32, #tpu.memory_space<vmem>>
        %dma_wait3A_251 = tpu.memref_squeeze %dma_wait3A_250 : memref<1x80xi32, #tpu.memory_space<vmem>> -> memref<80xi32, #tpu.memory_space<vmem>>
        %dma_wait3A_252 = arith.constant 0 : i32
        %dma_wait3A_253 = arith.constant 0 : i32
        %dma_wait3A_254 = tpu.memref_slice %arg12[%dma_wait3A_252, %dma_wait3A_253] : memref<10256x64xf32, #tpu.memory_space<vmem_shared>> -> memref<10256x64xf32, #tpu.memory_space<vmem_shared>>
        tpu.wait_indirect_dma semaphore(%arg14 : memref<!tpu.dma_semaphore, #tpu.memory_space<semaphore_mem>>) src(%arg9 : memref<80x64xf32, #tpu.memory_space<vmem>>) dst(%dma_wait3A_254 : memref<10256x64xf32, #tpu.memory_space<vmem_shared>>)
      } else {
      }
      %add3A_202 = arith.constant 4 : i32
      %add3A_203 = arith.addi %add3A_190, %add3A_202 : i32
      %sub3A_204 = arith.constant 1 : i32
      %sub3A_205 = arith.subi %add3A_203, %sub3A_204 : i32
      %lt3A_206 = arith.constant 84 : i32
      %lt3A_207 = arith.cmpi slt, %sub3A_205, %lt3A_206 : i32
      %convert_element_type3A_208 = arith.extui %lt3A_207 : i1 to i32
      %cond3A_209 = arith.constant 0 : i32
      %cond3A_210 = arith.cmpi ne, %convert_element_type3A_208, %cond3A_209 : i32
      scf.if %cond3A_210 {
        %add3A_247 = arith.constant 4 : i32
        %add3A_248 = arith.addi %add3A_190, %add3A_247 : i32
        %sub3A_249 = arith.constant 1 : i32
        %sub3A_250 = arith.subi %add3A_248, %sub3A_249 : i32
        %dma_start3A_251 = arith.constant 0 : i32
        %dma_start3A_252 = tpu.memref_slice %arg6[%sub3A_250, %dma_start3A_251] : memref<84x80xi32, #tpu.memory_space<vmem>> -> memref<1x80xi32, #tpu.memory_space<vmem>>
        %dma_start3A_253 = tpu.memref_squeeze %dma_start3A_252 : memref<1x80xi32, #tpu.memory_space<vmem>> -> memref<80xi32, #tpu.memory_space<vmem>>
        %dma_start3A_254 = arith.constant 0 : i32
        %dma_start3A_255 = arith.constant 0 : i32
        %dma_start3A_256 = tpu.memref_slice %arg2[%dma_start3A_254, %dma_start3A_255] : memref<20000x64xf32, #tpu.memory_space<hbm>> -> memref<20000x64xf32, #tpu.memory_space<hbm>>
        tpu.enqueue_indirect_dma source(%dma_start3A_256 : memref<20000x64xf32, #tpu.memory_space<hbm>>) target(%arg9 : memref<80x64xf32, #tpu.memory_space<vmem>>) offsets(%dma_start3A_253 : memref<80xi32, #tpu.memory_space<vmem>>) semaphore(%arg13 : memref<!tpu.dma_semaphore, #tpu.memory_space<semaphore_mem>>)
      } else {
      }
      %dma_start3A_211 = arith.constant 0 : i32
      %dma_start3A_212 = tpu.memref_slice %arg7[%add3A_190, %dma_start3A_211] : memref<84x80xi32, #tpu.memory_space<vmem>> -> memref<1x80xi32, #tpu.memory_space<vmem>>
      %dma_start3A_213 = tpu.memref_squeeze %dma_start3A_212 : memref<1x80xi32, #tpu.memory_space<vmem>> -> memref<80xi32, #tpu.memory_space<vmem>>
      %dma_start3A_214 = arith.constant 0 : i32
      %dma_start3A_215 = arith.constant 0 : i32
      %dma_start3A_216 = tpu.memref_slice %arg12[%dma_start3A_214, %dma_start3A_215] : memref<10256x64xf32, #tpu.memory_space<vmem_shared>> -> memref<10256x64xf32, #tpu.memory_space<vmem_shared>>
      tpu.enqueue_indirect_dma source(%arg10 : memref<80x64xf32, #tpu.memory_space<vmem>>) target(%dma_start3A_216 : memref<10256x64xf32, #tpu.memory_space<vmem_shared>>) offsets(%dma_start3A_213 : memref<80xi32, #tpu.memory_space<vmem>>) semaphore(%arg14 : memref<!tpu.dma_semaphore, #tpu.memory_space<semaphore_mem>>) {add = true}
      %mul3A_217 = arith.constant 4 : i32
      %mul3A_218 = arith.muli %scan3A_131, %mul3A_217 : i32
      %add3A_219 = arith.constant 3 : i32
      %add3A_220 = arith.addi %mul3A_218, %add3A_219 : i32
      %dma_wait3A_221 = arith.constant 0 : i32
      %dma_wait3A_222 = tpu.memref_slice %arg6[%add3A_220, %dma_wait3A_221] : memref<84x80xi32, #tpu.memory_space<vmem>> -> memref<1x80xi32, #tpu.memory_space<vmem>>
      %dma_wait3A_223 = tpu.memref_squeeze %dma_wait3A_222 : memref<1x80xi32, #tpu.memory_space<vmem>> -> memref<80xi32, #tpu.memory_space<vmem>>
      %dma_wait3A_224 = arith.constant 0 : i32
      %dma_wait3A_225 = arith.constant 0 : i32
      %dma_wait3A_226 = tpu.memref_slice %arg2[%dma_wait3A_224, %dma_wait3A_225] : memref<20000x64xf32, #tpu.memory_space<hbm>> -> memref<20000x64xf32, #tpu.memory_space<hbm>>
      tpu.wait_indirect_dma semaphore(%arg13 : memref<!tpu.dma_semaphore, #tpu.memory_space<semaphore_mem>>) src(%dma_wait3A_226 : memref<20000x64xf32, #tpu.memory_space<hbm>>) dst(%arg11 : memref<80x64xf32, #tpu.memory_space<vmem>>)
      %ge3A_227 = arith.constant 1 : i32
      %ge3A_228 = arith.cmpi sge, %add3A_220, %ge3A_227 : i32
      %convert_element_type3A_229 = arith.extui %ge3A_228 : i1 to i32
      %cond3A_230 = arith.constant 0 : i32
      %cond3A_231 = arith.cmpi ne, %convert_element_type3A_229, %cond3A_230 : i32
      scf.if %cond3A_231 {
        %sub3A_247 = arith.constant 1 : i32
        %sub3A_248 = arith.subi %add3A_220, %sub3A_247 : i32
        %dma_wait3A_249 = arith.constant 0 : i32
        %dma_wait3A_250 = tpu.memref_slice %arg7[%sub3A_248, %dma_wait3A_249] : memref<84x80xi32, #tpu.memory_space<vmem>> -> memref<1x80xi32, #tpu.memory_space<vmem>>
        %dma_wait3A_251 = tpu.memref_squeeze %dma_wait3A_250 : memref<1x80xi32, #tpu.memory_space<vmem>> -> memref<80xi32, #tpu.memory_space<vmem>>
        %dma_wait3A_252 = arith.constant 0 : i32
        %dma_wait3A_253 = arith.constant 0 : i32
        %dma_wait3A_254 = tpu.memref_slice %arg12[%dma_wait3A_252, %dma_wait3A_253] : memref<10256x64xf32, #tpu.memory_space<vmem_shared>> -> memref<10256x64xf32, #tpu.memory_space<vmem_shared>>
        tpu.wait_indirect_dma semaphore(%arg14 : memref<!tpu.dma_semaphore, #tpu.memory_space<semaphore_mem>>) src(%arg10 : memref<80x64xf32, #tpu.memory_space<vmem>>) dst(%dma_wait3A_254 : memref<10256x64xf32, #tpu.memory_space<vmem_shared>>)
      } else {
      }
      %add3A_232 = arith.constant 4 : i32
      %add3A_233 = arith.addi %add3A_220, %add3A_232 : i32
      %sub3A_234 = arith.constant 1 : i32
      %sub3A_235 = arith.subi %add3A_233, %sub3A_234 : i32
      %lt3A_236 = arith.constant 84 : i32
      %lt3A_237 = arith.cmpi slt, %sub3A_235, %lt3A_236 : i32
      %convert_element_type3A_238 = arith.extui %lt3A_237 : i1 to i32
      %cond3A_239 = arith.constant 0 : i32
      %cond3A_240 = arith.cmpi ne, %convert_element_type3A_238, %cond3A_239 : i32
      scf.if %cond3A_240 {
        %add3A_247 = arith.constant 4 : i32
        %add3A_248 = arith.addi %add3A_220, %add3A_247 : i32
        %sub3A_249 = arith.constant 1 : i32
        %sub3A_250 = arith.subi %add3A_248, %sub3A_249 : i32
        %dma_start3A_251 = arith.constant 0 : i32
        %dma_start3A_252 = tpu.memref_slice %arg6[%sub3A_250, %dma_start3A_251] : memref<84x80xi32, #tpu.memory_space<vmem>> -> memref<1x80xi32, #tpu.memory_space<vmem>>
        %dma_start3A_253 = tpu.memref_squeeze %dma_start3A_252 : memref<1x80xi32, #tpu.memory_space<vmem>> -> memref<80xi32, #tpu.memory_space<vmem>>
        %dma_start3A_254 = arith.constant 0 : i32
        %dma_start3A_255 = arith.constant 0 : i32
        %dma_start3A_256 = tpu.memref_slice %arg2[%dma_start3A_254, %dma_start3A_255] : memref<20000x64xf32, #tpu.memory_space<hbm>> -> memref<20000x64xf32, #tpu.memory_space<hbm>>
        tpu.enqueue_indirect_dma source(%dma_start3A_256 : memref<20000x64xf32, #tpu.memory_space<hbm>>) target(%arg10 : memref<80x64xf32, #tpu.memory_space<vmem>>) offsets(%dma_start3A_253 : memref<80xi32, #tpu.memory_space<vmem>>) semaphore(%arg13 : memref<!tpu.dma_semaphore, #tpu.memory_space<semaphore_mem>>)
      } else {
      }
      %dma_start3A_241 = arith.constant 0 : i32
      %dma_start3A_242 = tpu.memref_slice %arg7[%add3A_220, %dma_start3A_241] : memref<84x80xi32, #tpu.memory_space<vmem>> -> memref<1x80xi32, #tpu.memory_space<vmem>>
      %dma_start3A_243 = tpu.memref_squeeze %dma_start3A_242 : memref<1x80xi32, #tpu.memory_space<vmem>> -> memref<80xi32, #tpu.memory_space<vmem>>
      %dma_start3A_244 = arith.constant 0 : i32
      %dma_start3A_245 = arith.constant 0 : i32
      %dma_start3A_246 = tpu.memref_slice %arg12[%dma_start3A_244, %dma_start3A_245] : memref<10256x64xf32, #tpu.memory_space<vmem_shared>> -> memref<10256x64xf32, #tpu.memory_space<vmem_shared>>
      tpu.enqueue_indirect_dma source(%arg11 : memref<80x64xf32, #tpu.memory_space<vmem>>) target(%dma_start3A_246 : memref<10256x64xf32, #tpu.memory_space<vmem_shared>>) offsets(%dma_start3A_243 : memref<80xi32, #tpu.memory_space<vmem>>) semaphore(%arg14 : memref<!tpu.dma_semaphore, #tpu.memory_space<semaphore_mem>>) {add = true}
    }
    %scan3A_83 = arith.constant 21 : i32
    %dma_wait3A_84 = arith.constant 83 : i32
    %dma_wait3A_85 = arith.constant 0 : i32
    %dma_wait3A_86 = tpu.memref_slice %arg7[%dma_wait3A_84, %dma_wait3A_85] : memref<84x80xi32, #tpu.memory_space<vmem>> -> memref<1x80xi32, #tpu.memory_space<vmem>>
    %dma_wait3A_87 = tpu.memref_squeeze %dma_wait3A_86 : memref<1x80xi32, #tpu.memory_space<vmem>> -> memref<80xi32, #tpu.memory_space<vmem>>
    %dma_wait3A_88 = arith.constant 0 : i32
    %dma_wait3A_89 = arith.constant 0 : i32
    %dma_wait3A_90 = tpu.memref_slice %arg12[%dma_wait3A_88, %dma_wait3A_89] : memref<10256x64xf32, #tpu.memory_space<vmem_shared>> -> memref<10256x64xf32, #tpu.memory_space<vmem_shared>>
    tpu.wait_indirect_dma semaphore(%arg14 : memref<!tpu.dma_semaphore, #tpu.memory_space<semaphore_mem>>) src(%arg11 : memref<80x64xf32, #tpu.memory_space<vmem>>) dst(%dma_wait3A_90 : memref<10256x64xf32, #tpu.memory_space<vmem_shared>>)
    %run_scoped3A_91 = arith.constant 2 : i32
    "tpu.region"() ({
      %run_scoped3A_131 = tpu.sem_alloc : memref<!tpu.dma_semaphore, #tpu.memory_space<semaphore_mem>>
      %dma_start3A_132 = arith.constant 0 : i32
      %dma_start3A_133 = arith.constant 0 : i32
      %dma_start3A_134 = tpu.memref_slice %arg3[%arg0, %arg1, %run_scoped3A_91, %dma_start3A_132, %dma_start3A_133] : memref<2x16x3x84x80xi32, #tpu.memory_space<hbm>> -> memref<1x1x1x84x80xi32, #tpu.memory_space<hbm>>
      %dma_start3A_135 = tpu.memref_squeeze %dma_start3A_134 : memref<1x1x1x84x80xi32, #tpu.memory_space<hbm>> -> memref<84x80xi32, #tpu.memory_space<hbm>>
      %dma_start3A_136 = arith.constant 0 : i32
      %dma_start3A_137 = arith.constant 0 : i32
      %dma_start3A_138 = tpu.memref_slice %arg3[%arg0, %arg1, %run_scoped3A_91, %dma_start3A_136, %dma_start3A_137] : memref<2x16x3x84x80xi32, #tpu.memory_space<hbm>> -> memref<1x1x1x84x80xi32, #tpu.memory_space<hbm>>
      %dma_start3A_139 = tpu.memref_squeeze %dma_start3A_138 : memref<1x1x1x84x80xi32, #tpu.memory_space<hbm>> -> memref<84x80xi32, #tpu.memory_space<hbm>>
      tpu.enqueue_dma source(%dma_start3A_139 : memref<84x80xi32, #tpu.memory_space<hbm>>) target(%arg6 : memref<84x80xi32, #tpu.memory_space<vmem>>) target_semaphore(%run_scoped3A_131 : memref<!tpu.dma_semaphore, #tpu.memory_space<semaphore_mem>>)
      %dma_wait3A_140 = arith.constant 0 : i32
      %dma_wait3A_141 = arith.constant 0 : i32
      %dma_wait3A_142 = tpu.memref_slice %arg3[%arg0, %arg1, %run_scoped3A_91, %dma_wait3A_140, %dma_wait3A_141] : memref<2x16x3x84x80xi32, #tpu.memory_space<hbm>> -> memref<1x1x1x84x80xi32, #tpu.memory_space<hbm>>
      %dma_wait3A_143 = tpu.memref_squeeze %dma_wait3A_142 : memref<1x1x1x84x80xi32, #tpu.memory_space<hbm>> -> memref<84x80xi32, #tpu.memory_space<hbm>>
      %dma_wait3A_144 = arith.constant 0 : i32
      %dma_wait3A_145 = arith.constant 0 : i32
      %dma_wait3A_146 = tpu.memref_slice %arg3[%arg0, %arg1, %run_scoped3A_91, %dma_wait3A_144, %dma_wait3A_145] : memref<2x16x3x84x80xi32, #tpu.memory_space<hbm>> -> memref<1x1x1x84x80xi32, #tpu.memory_space<hbm>>
      %dma_wait3A_147 = tpu.memref_squeeze %dma_wait3A_146 : memref<1x1x1x84x80xi32, #tpu.memory_space<hbm>> -> memref<84x80xi32, #tpu.memory_space<hbm>>
      tpu.wait_dma2 semaphore(%run_scoped3A_131 : memref<!tpu.dma_semaphore, #tpu.memory_space<semaphore_mem>>) src(%dma_wait3A_147 : memref<84x80xi32, #tpu.memory_space<hbm>>) dst(%arg6 : memref<84x80xi32, #tpu.memory_space<vmem>>)
      tpu.yield
    }) : () -> ()
    %run_scoped3A_92 = arith.constant 2 : i32
    "tpu.region"() ({
      %run_scoped3A_131 = tpu.sem_alloc : memref<!tpu.dma_semaphore, #tpu.memory_space<semaphore_mem>>
      %dma_start3A_132 = arith.constant 0 : i32
      %dma_start3A_133 = arith.constant 0 : i32
      %dma_start3A_134 = tpu.memref_slice %arg4[%arg1, %run_scoped3A_92, %dma_start3A_132, %dma_start3A_133] : memref<16x3x84x80xi32, #tpu.memory_space<hbm>> -> memref<1x1x84x80xi32, #tpu.memory_space<hbm>>
      %dma_start3A_135 = tpu.memref_squeeze %dma_start3A_134 : memref<1x1x84x80xi32, #tpu.memory_space<hbm>> -> memref<84x80xi32, #tpu.memory_space<hbm>>
      %dma_start3A_136 = arith.constant 0 : i32
      %dma_start3A_137 = arith.constant 0 : i32
      %dma_start3A_138 = tpu.memref_slice %arg4[%arg1, %run_scoped3A_92, %dma_start3A_136, %dma_start3A_137] : memref<16x3x84x80xi32, #tpu.memory_space<hbm>> -> memref<1x1x84x80xi32, #tpu.memory_space<hbm>>
      %dma_start3A_139 = tpu.memref_squeeze %dma_start3A_138 : memref<1x1x84x80xi32, #tpu.memory_space<hbm>> -> memref<84x80xi32, #tpu.memory_space<hbm>>
      tpu.enqueue_dma source(%dma_start3A_139 : memref<84x80xi32, #tpu.memory_space<hbm>>) target(%arg7 : memref<84x80xi32, #tpu.memory_space<vmem>>) target_semaphore(%run_scoped3A_131 : memref<!tpu.dma_semaphore, #tpu.memory_space<semaphore_mem>>)
      %dma_wait3A_140 = arith.constant 0 : i32
      %dma_wait3A_141 = arith.constant 0 : i32
      %dma_wait3A_142 = tpu.memref_slice %arg4[%arg1, %run_scoped3A_92, %dma_wait3A_140, %dma_wait3A_141] : memref<16x3x84x80xi32, #tpu.memory_space<hbm>> -> memref<1x1x84x80xi32, #tpu.memory_space<hbm>>
      %dma_wait3A_143 = tpu.memref_squeeze %dma_wait3A_142 : memref<1x1x84x80xi32, #tpu.memory_space<hbm>> -> memref<84x80xi32, #tpu.memory_space<hbm>>
      %dma_wait3A_144 = arith.constant 0 : i32
      %dma_wait3A_145 = arith.constant 0 : i32
      %dma_wait3A_146 = tpu.memref_slice %arg4[%arg1, %run_scoped3A_92, %dma_wait3A_144, %dma_wait3A_145] : memref<16x3x84x80xi32, #tpu.memory_space<hbm>> -> memref<1x1x84x80xi32, #tpu.memory_space<hbm>>
      %dma_wait3A_147 = tpu.memref_squeeze %dma_wait3A_146 : memref<1x1x84x80xi32, #tpu.memory_space<hbm>> -> memref<84x80xi32, #tpu.memory_space<hbm>>
      tpu.wait_dma2 semaphore(%run_scoped3A_131 : memref<!tpu.dma_semaphore, #tpu.memory_space<semaphore_mem>>) src(%dma_wait3A_147 : memref<84x80xi32, #tpu.memory_space<hbm>>) dst(%arg7 : memref<84x80xi32, #tpu.memory_space<vmem>>)
      tpu.yield
    }) : () -> ()
    %dma_start3A_93 = arith.constant 0 : i32
    %dma_start3A_94 = arith.constant 0 : i32
    %dma_start3A_95 = tpu.memref_slice %arg6[%dma_start3A_93, %dma_start3A_94] : memref<84x80xi32, #tpu.memory_space<vmem>> -> memref<1x80xi32, #tpu.memory_space<vmem>>
    %dma_start3A_96 = tpu.memref_squeeze %dma_start3A_95 : memref<1x80xi32, #tpu.memory_space<vmem>> -> memref<80xi32, #tpu.memory_space<vmem>>
    %dma_start3A_97 = arith.constant 0 : i32
    %dma_start3A_98 = arith.constant 0 : i32
    %dma_start3A_99 = tpu.memref_slice %arg2[%dma_start3A_97, %dma_start3A_98] : memref<20000x64xf32, #tpu.memory_space<hbm>> -> memref<20000x64xf32, #tpu.memory_space<hbm>>
    tpu.enqueue_indirect_dma source(%dma_start3A_99 : memref<20000x64xf32, #tpu.memory_space<hbm>>) target(%arg8 : memref<80x64xf32, #tpu.memory_space<vmem>>) offsets(%dma_start3A_96 : memref<80xi32, #tpu.memory_space<vmem>>) semaphore(%arg13 : memref<!tpu.dma_semaphore, #tpu.memory_space<semaphore_mem>>)
    %dma_start3A_100 = arith.constant 1 : i32
    %dma_start3A_101 = arith.constant 0 : i32
    %dma_start3A_102 = tpu.memref_slice %arg6[%dma_start3A_100, %dma_start3A_101] : memref<84x80xi32, #tpu.memory_space<vmem>> -> memref<1x80xi32, #tpu.memory_space<vmem>>
    %dma_start3A_103 = tpu.memref_squeeze %dma_start3A_102 : memref<1x80xi32, #tpu.memory_space<vmem>> -> memref<80xi32, #tpu.memory_space<vmem>>
    %dma_start3A_104 = arith.constant 0 : i32
    %dma_start3A_105 = arith.constant 0 : i32
    %dma_start3A_106 = tpu.memref_slice %arg2[%dma_start3A_104, %dma_start3A_105] : memref<20000x64xf32, #tpu.memory_space<hbm>> -> memref<20000x64xf32, #tpu.memory_space<hbm>>
    tpu.enqueue_indirect_dma source(%dma_start3A_106 : memref<20000x64xf32, #tpu.memory_space<hbm>>) target(%arg9 : memref<80x64xf32, #tpu.memory_space<vmem>>) offsets(%dma_start3A_103 : memref<80xi32, #tpu.memory_space<vmem>>) semaphore(%arg13 : memref<!tpu.dma_semaphore, #tpu.memory_space<semaphore_mem>>)
    %dma_start3A_107 = arith.constant 2 : i32
    %dma_start3A_108 = arith.constant 0 : i32
    %dma_start3A_109 = tpu.memref_slice %arg6[%dma_start3A_107, %dma_start3A_108] : memref<84x80xi32, #tpu.memory_space<vmem>> -> memref<1x80xi32, #tpu.memory_space<vmem>>
    %dma_start3A_110 = tpu.memref_squeeze %dma_start3A_109 : memref<1x80xi32, #tpu.memory_space<vmem>> -> memref<80xi32, #tpu.memory_space<vmem>>
    %dma_start3A_111 = arith.constant 0 : i32
    %dma_start3A_112 = arith.constant 0 : i32
    %dma_start3A_113 = tpu.memref_slice %arg2[%dma_start3A_111, %dma_start3A_112] : memref<20000x64xf32, #tpu.memory_space<hbm>> -> memref<20000x64xf32, #tpu.memory_space<hbm>>
    tpu.enqueue_indirect_dma source(%dma_start3A_113 : memref<20000x64xf32, #tpu.memory_space<hbm>>) target(%arg10 : memref<80x64xf32, #tpu.memory_space<vmem>>) offsets(%dma_start3A_110 : memref<80xi32, #tpu.memory_space<vmem>>) semaphore(%arg13 : memref<!tpu.dma_semaphore, #tpu.memory_space<semaphore_mem>>)
    %scan3A_114 = arith.constant 0 : i32
    %scan3A_115 = arith.constant 0 : i32
    %scan3A_116 = arith.constant 21 : i32
    %scan3A_117 = arith.addi %scan3A_115, %scan3A_116 : i32
    %scan3A_118 = arith.constant 1 : i32
    scf.for %scan3A_131 = %scan3A_115 to %scan3A_117 step %scan3A_118  : i32 {
      %mul3A_132 = arith.constant 4 : i32
      %mul3A_133 = arith.muli %scan3A_131, %mul3A_132 : i32
      %add3A_134 = arith.constant 0 : i32
      %add3A_135 = arith.addi %mul3A_133, %add3A_134 : i32
      %dma_wait3A_136 = arith.constant 0 : i32
      %dma_wait3A_137 = tpu.memref_slice %arg6[%add3A_135, %dma_wait3A_136] : memref<84x80xi32, #tpu.memory_space<vmem>> -> memref<1x80xi32, #tpu.memory_space<vmem>>
      %dma_wait3A_138 = tpu.memref_squeeze %dma_wait3A_137 : memref<1x80xi32, #tpu.memory_space<vmem>> -> memref<80xi32, #tpu.memory_space<vmem>>
      %dma_wait3A_139 = arith.constant 0 : i32
      %dma_wait3A_140 = arith.constant 0 : i32
      %dma_wait3A_141 = tpu.memref_slice %arg2[%dma_wait3A_139, %dma_wait3A_140] : memref<20000x64xf32, #tpu.memory_space<hbm>> -> memref<20000x64xf32, #tpu.memory_space<hbm>>
      tpu.wait_indirect_dma semaphore(%arg13 : memref<!tpu.dma_semaphore, #tpu.memory_space<semaphore_mem>>) src(%dma_wait3A_141 : memref<20000x64xf32, #tpu.memory_space<hbm>>) dst(%arg8 : memref<80x64xf32, #tpu.memory_space<vmem>>)
      %ge3A = arith.constant 1 : i32
      %ge3A_142 = arith.cmpi sge, %add3A_135, %ge3A : i32
      %convert_element_type3A = arith.extui %ge3A_142 : i1 to i32
      %cond3A = arith.constant 0 : i32
      %cond3A_143 = arith.cmpi ne, %convert_element_type3A, %cond3A : i32
      scf.if %cond3A_143 {
        %sub3A_247 = arith.constant 1 : i32
        %sub3A_248 = arith.subi %add3A_135, %sub3A_247 : i32
        %dma_wait3A_249 = arith.constant 0 : i32
        %dma_wait3A_250 = tpu.memref_slice %arg7[%sub3A_248, %dma_wait3A_249] : memref<84x80xi32, #tpu.memory_space<vmem>> -> memref<1x80xi32, #tpu.memory_space<vmem>>
        %dma_wait3A_251 = tpu.memref_squeeze %dma_wait3A_250 : memref<1x80xi32, #tpu.memory_space<vmem>> -> memref<80xi32, #tpu.memory_space<vmem>>
        %dma_wait3A_252 = arith.constant 0 : i32
        %dma_wait3A_253 = arith.constant 0 : i32
        %dma_wait3A_254 = tpu.memref_slice %arg12[%dma_wait3A_252, %dma_wait3A_253] : memref<10256x64xf32, #tpu.memory_space<vmem_shared>> -> memref<10256x64xf32, #tpu.memory_space<vmem_shared>>
        tpu.wait_indirect_dma semaphore(%arg14 : memref<!tpu.dma_semaphore, #tpu.memory_space<semaphore_mem>>) src(%arg11 : memref<80x64xf32, #tpu.memory_space<vmem>>) dst(%dma_wait3A_254 : memref<10256x64xf32, #tpu.memory_space<vmem_shared>>)
      } else {
      }
      %add3A_144 = arith.constant 4 : i32
      %add3A_145 = arith.addi %add3A_135, %add3A_144 : i32
      %sub3A = arith.constant 1 : i32
      %sub3A_146 = arith.subi %add3A_145, %sub3A : i32
      %lt3A = arith.constant 84 : i32
      %lt3A_147 = arith.cmpi slt, %sub3A_146, %lt3A : i32
      %convert_element_type3A_148 = arith.extui %lt3A_147 : i1 to i32
      %cond3A_149 = arith.constant 0 : i32
      %cond3A_150 = arith.cmpi ne, %convert_element_type3A_148, %cond3A_149 : i32
      scf.if %cond3A_150 {
        %add3A_247 = arith.constant 4 : i32
        %add3A_248 = arith.addi %add3A_135, %add3A_247 : i32
        %sub3A_249 = arith.constant 1 : i32
        %sub3A_250 = arith.subi %add3A_248, %sub3A_249 : i32
        %dma_start3A_251 = arith.constant 0 : i32
        %dma_start3A_252 = tpu.memref_slice %arg6[%sub3A_250, %dma_start3A_251] : memref<84x80xi32, #tpu.memory_space<vmem>> -> memref<1x80xi32, #tpu.memory_space<vmem>>
        %dma_start3A_253 = tpu.memref_squeeze %dma_start3A_252 : memref<1x80xi32, #tpu.memory_space<vmem>> -> memref<80xi32, #tpu.memory_space<vmem>>
        %dma_start3A_254 = arith.constant 0 : i32
        %dma_start3A_255 = arith.constant 0 : i32
        %dma_start3A_256 = tpu.memref_slice %arg2[%dma_start3A_254, %dma_start3A_255] : memref<20000x64xf32, #tpu.memory_space<hbm>> -> memref<20000x64xf32, #tpu.memory_space<hbm>>
        tpu.enqueue_indirect_dma source(%dma_start3A_256 : memref<20000x64xf32, #tpu.memory_space<hbm>>) target(%arg11 : memref<80x64xf32, #tpu.memory_space<vmem>>) offsets(%dma_start3A_253 : memref<80xi32, #tpu.memory_space<vmem>>) semaphore(%arg13 : memref<!tpu.dma_semaphore, #tpu.memory_space<semaphore_mem>>)
      } else {
      }
      %dma_start3A_151 = arith.constant 0 : i32
      %dma_start3A_152 = tpu.memref_slice %arg7[%add3A_135, %dma_start3A_151] : memref<84x80xi32, #tpu.memory_space<vmem>> -> memref<1x80xi32, #tpu.memory_space<vmem>>
      %dma_start3A_153 = tpu.memref_squeeze %dma_start3A_152 : memref<1x80xi32, #tpu.memory_space<vmem>> -> memref<80xi32, #tpu.memory_space<vmem>>
      %dma_start3A_154 = arith.constant 0 : i32
      %dma_start3A_155 = arith.constant 0 : i32
      %dma_start3A_156 = tpu.memref_slice %arg12[%dma_start3A_154, %dma_start3A_155] : memref<10256x64xf32, #tpu.memory_space<vmem_shared>> -> memref<10256x64xf32, #tpu.memory_space<vmem_shared>>
      tpu.enqueue_indirect_dma source(%arg8 : memref<80x64xf32, #tpu.memory_space<vmem>>) target(%dma_start3A_156 : memref<10256x64xf32, #tpu.memory_space<vmem_shared>>) offsets(%dma_start3A_153 : memref<80xi32, #tpu.memory_space<vmem>>) semaphore(%arg14 : memref<!tpu.dma_semaphore, #tpu.memory_space<semaphore_mem>>) {add = true}
      %mul3A_157 = arith.constant 4 : i32
      %mul3A_158 = arith.muli %scan3A_131, %mul3A_157 : i32
      %add3A_159 = arith.constant 1 : i32
      %add3A_160 = arith.addi %mul3A_158, %add3A_159 : i32
      %dma_wait3A_161 = arith.constant 0 : i32
      %dma_wait3A_162 = tpu.memref_slice %arg6[%add3A_160, %dma_wait3A_161] : memref<84x80xi32, #tpu.memory_space<vmem>> -> memref<1x80xi32, #tpu.memory_space<vmem>>
      %dma_wait3A_163 = tpu.memref_squeeze %dma_wait3A_162 : memref<1x80xi32, #tpu.memory_space<vmem>> -> memref<80xi32, #tpu.memory_space<vmem>>
      %dma_wait3A_164 = arith.constant 0 : i32
      %dma_wait3A_165 = arith.constant 0 : i32
      %dma_wait3A_166 = tpu.memref_slice %arg2[%dma_wait3A_164, %dma_wait3A_165] : memref<20000x64xf32, #tpu.memory_space<hbm>> -> memref<20000x64xf32, #tpu.memory_space<hbm>>
      tpu.wait_indirect_dma semaphore(%arg13 : memref<!tpu.dma_semaphore, #tpu.memory_space<semaphore_mem>>) src(%dma_wait3A_166 : memref<20000x64xf32, #tpu.memory_space<hbm>>) dst(%arg9 : memref<80x64xf32, #tpu.memory_space<vmem>>)
      %ge3A_167 = arith.constant 1 : i32
      %ge3A_168 = arith.cmpi sge, %add3A_160, %ge3A_167 : i32
      %convert_element_type3A_169 = arith.extui %ge3A_168 : i1 to i32
      %cond3A_170 = arith.constant 0 : i32
      %cond3A_171 = arith.cmpi ne, %convert_element_type3A_169, %cond3A_170 : i32
      scf.if %cond3A_171 {
        %sub3A_247 = arith.constant 1 : i32
        %sub3A_248 = arith.subi %add3A_160, %sub3A_247 : i32
        %dma_wait3A_249 = arith.constant 0 : i32
        %dma_wait3A_250 = tpu.memref_slice %arg7[%sub3A_248, %dma_wait3A_249] : memref<84x80xi32, #tpu.memory_space<vmem>> -> memref<1x80xi32, #tpu.memory_space<vmem>>
        %dma_wait3A_251 = tpu.memref_squeeze %dma_wait3A_250 : memref<1x80xi32, #tpu.memory_space<vmem>> -> memref<80xi32, #tpu.memory_space<vmem>>
        %dma_wait3A_252 = arith.constant 0 : i32
        %dma_wait3A_253 = arith.constant 0 : i32
        %dma_wait3A_254 = tpu.memref_slice %arg12[%dma_wait3A_252, %dma_wait3A_253] : memref<10256x64xf32, #tpu.memory_space<vmem_shared>> -> memref<10256x64xf32, #tpu.memory_space<vmem_shared>>
        tpu.wait_indirect_dma semaphore(%arg14 : memref<!tpu.dma_semaphore, #tpu.memory_space<semaphore_mem>>) src(%arg8 : memref<80x64xf32, #tpu.memory_space<vmem>>) dst(%dma_wait3A_254 : memref<10256x64xf32, #tpu.memory_space<vmem_shared>>)
      } else {
      }
      %add3A_172 = arith.constant 4 : i32
      %add3A_173 = arith.addi %add3A_160, %add3A_172 : i32
      %sub3A_174 = arith.constant 1 : i32
      %sub3A_175 = arith.subi %add3A_173, %sub3A_174 : i32
      %lt3A_176 = arith.constant 84 : i32
      %lt3A_177 = arith.cmpi slt, %sub3A_175, %lt3A_176 : i32
      %convert_element_type3A_178 = arith.extui %lt3A_177 : i1 to i32
      %cond3A_179 = arith.constant 0 : i32
      %cond3A_180 = arith.cmpi ne, %convert_element_type3A_178, %cond3A_179 : i32
      scf.if %cond3A_180 {
        %add3A_247 = arith.constant 4 : i32
        %add3A_248 = arith.addi %add3A_160, %add3A_247 : i32
        %sub3A_249 = arith.constant 1 : i32
        %sub3A_250 = arith.subi %add3A_248, %sub3A_249 : i32
        %dma_start3A_251 = arith.constant 0 : i32
        %dma_start3A_252 = tpu.memref_slice %arg6[%sub3A_250, %dma_start3A_251] : memref<84x80xi32, #tpu.memory_space<vmem>> -> memref<1x80xi32, #tpu.memory_space<vmem>>
        %dma_start3A_253 = tpu.memref_squeeze %dma_start3A_252 : memref<1x80xi32, #tpu.memory_space<vmem>> -> memref<80xi32, #tpu.memory_space<vmem>>
        %dma_start3A_254 = arith.constant 0 : i32
        %dma_start3A_255 = arith.constant 0 : i32
        %dma_start3A_256 = tpu.memref_slice %arg2[%dma_start3A_254, %dma_start3A_255] : memref<20000x64xf32, #tpu.memory_space<hbm>> -> memref<20000x64xf32, #tpu.memory_space<hbm>>
        tpu.enqueue_indirect_dma source(%dma_start3A_256 : memref<20000x64xf32, #tpu.memory_space<hbm>>) target(%arg8 : memref<80x64xf32, #tpu.memory_space<vmem>>) offsets(%dma_start3A_253 : memref<80xi32, #tpu.memory_space<vmem>>) semaphore(%arg13 : memref<!tpu.dma_semaphore, #tpu.memory_space<semaphore_mem>>)
      } else {
      }
      %dma_start3A_181 = arith.constant 0 : i32
      %dma_start3A_182 = tpu.memref_slice %arg7[%add3A_160, %dma_start3A_181] : memref<84x80xi32, #tpu.memory_space<vmem>> -> memref<1x80xi32, #tpu.memory_space<vmem>>
      %dma_start3A_183 = tpu.memref_squeeze %dma_start3A_182 : memref<1x80xi32, #tpu.memory_space<vmem>> -> memref<80xi32, #tpu.memory_space<vmem>>
      %dma_start3A_184 = arith.constant 0 : i32
      %dma_start3A_185 = arith.constant 0 : i32
      %dma_start3A_186 = tpu.memref_slice %arg12[%dma_start3A_184, %dma_start3A_185] : memref<10256x64xf32, #tpu.memory_space<vmem_shared>> -> memref<10256x64xf32, #tpu.memory_space<vmem_shared>>
      tpu.enqueue_indirect_dma source(%arg9 : memref<80x64xf32, #tpu.memory_space<vmem>>) target(%dma_start3A_186 : memref<10256x64xf32, #tpu.memory_space<vmem_shared>>) offsets(%dma_start3A_183 : memref<80xi32, #tpu.memory_space<vmem>>) semaphore(%arg14 : memref<!tpu.dma_semaphore, #tpu.memory_space<semaphore_mem>>) {add = true}
      %mul3A_187 = arith.constant 4 : i32
      %mul3A_188 = arith.muli %scan3A_131, %mul3A_187 : i32
      %add3A_189 = arith.constant 2 : i32
      %add3A_190 = arith.addi %mul3A_188, %add3A_189 : i32
      %dma_wait3A_191 = arith.constant 0 : i32
      %dma_wait3A_192 = tpu.memref_slice %arg6[%add3A_190, %dma_wait3A_191] : memref<84x80xi32, #tpu.memory_space<vmem>> -> memref<1x80xi32, #tpu.memory_space<vmem>>
      %dma_wait3A_193 = tpu.memref_squeeze %dma_wait3A_192 : memref<1x80xi32, #tpu.memory_space<vmem>> -> memref<80xi32, #tpu.memory_space<vmem>>
      %dma_wait3A_194 = arith.constant 0 : i32
      %dma_wait3A_195 = arith.constant 0 : i32
      %dma_wait3A_196 = tpu.memref_slice %arg2[%dma_wait3A_194, %dma_wait3A_195] : memref<20000x64xf32, #tpu.memory_space<hbm>> -> memref<20000x64xf32, #tpu.memory_space<hbm>>
      tpu.wait_indirect_dma semaphore(%arg13 : memref<!tpu.dma_semaphore, #tpu.memory_space<semaphore_mem>>) src(%dma_wait3A_196 : memref<20000x64xf32, #tpu.memory_space<hbm>>) dst(%arg10 : memref<80x64xf32, #tpu.memory_space<vmem>>)
      %ge3A_197 = arith.constant 1 : i32
      %ge3A_198 = arith.cmpi sge, %add3A_190, %ge3A_197 : i32
      %convert_element_type3A_199 = arith.extui %ge3A_198 : i1 to i32
      %cond3A_200 = arith.constant 0 : i32
      %cond3A_201 = arith.cmpi ne, %convert_element_type3A_199, %cond3A_200 : i32
      scf.if %cond3A_201 {
        %sub3A_247 = arith.constant 1 : i32
        %sub3A_248 = arith.subi %add3A_190, %sub3A_247 : i32
        %dma_wait3A_249 = arith.constant 0 : i32
        %dma_wait3A_250 = tpu.memref_slice %arg7[%sub3A_248, %dma_wait3A_249] : memref<84x80xi32, #tpu.memory_space<vmem>> -> memref<1x80xi32, #tpu.memory_space<vmem>>
        %dma_wait3A_251 = tpu.memref_squeeze %dma_wait3A_250 : memref<1x80xi32, #tpu.memory_space<vmem>> -> memref<80xi32, #tpu.memory_space<vmem>>
        %dma_wait3A_252 = arith.constant 0 : i32
        %dma_wait3A_253 = arith.constant 0 : i32
        %dma_wait3A_254 = tpu.memref_slice %arg12[%dma_wait3A_252, %dma_wait3A_253] : memref<10256x64xf32, #tpu.memory_space<vmem_shared>> -> memref<10256x64xf32, #tpu.memory_space<vmem_shared>>
        tpu.wait_indirect_dma semaphore(%arg14 : memref<!tpu.dma_semaphore, #tpu.memory_space<semaphore_mem>>) src(%arg9 : memref<80x64xf32, #tpu.memory_space<vmem>>) dst(%dma_wait3A_254 : memref<10256x64xf32, #tpu.memory_space<vmem_shared>>)
      } else {
      }
      %add3A_202 = arith.constant 4 : i32
      %add3A_203 = arith.addi %add3A_190, %add3A_202 : i32
      %sub3A_204 = arith.constant 1 : i32
      %sub3A_205 = arith.subi %add3A_203, %sub3A_204 : i32
      %lt3A_206 = arith.constant 84 : i32
      %lt3A_207 = arith.cmpi slt, %sub3A_205, %lt3A_206 : i32
      %convert_element_type3A_208 = arith.extui %lt3A_207 : i1 to i32
      %cond3A_209 = arith.constant 0 : i32
      %cond3A_210 = arith.cmpi ne, %convert_element_type3A_208, %cond3A_209 : i32
      scf.if %cond3A_210 {
        %add3A_247 = arith.constant 4 : i32
        %add3A_248 = arith.addi %add3A_190, %add3A_247 : i32
        %sub3A_249 = arith.constant 1 : i32
        %sub3A_250 = arith.subi %add3A_248, %sub3A_249 : i32
        %dma_start3A_251 = arith.constant 0 : i32
        %dma_start3A_252 = tpu.memref_slice %arg6[%sub3A_250, %dma_start3A_251] : memref<84x80xi32, #tpu.memory_space<vmem>> -> memref<1x80xi32, #tpu.memory_space<vmem>>
        %dma_start3A_253 = tpu.memref_squeeze %dma_start3A_252 : memref<1x80xi32, #tpu.memory_space<vmem>> -> memref<80xi32, #tpu.memory_space<vmem>>
        %dma_start3A_254 = arith.constant 0 : i32
        %dma_start3A_255 = arith.constant 0 : i32
        %dma_start3A_256 = tpu.memref_slice %arg2[%dma_start3A_254, %dma_start3A_255] : memref<20000x64xf32, #tpu.memory_space<hbm>> -> memref<20000x64xf32, #tpu.memory_space<hbm>>
        tpu.enqueue_indirect_dma source(%dma_start3A_256 : memref<20000x64xf32, #tpu.memory_space<hbm>>) target(%arg9 : memref<80x64xf32, #tpu.memory_space<vmem>>) offsets(%dma_start3A_253 : memref<80xi32, #tpu.memory_space<vmem>>) semaphore(%arg13 : memref<!tpu.dma_semaphore, #tpu.memory_space<semaphore_mem>>)
      } else {
      }
      %dma_start3A_211 = arith.constant 0 : i32
      %dma_start3A_212 = tpu.memref_slice %arg7[%add3A_190, %dma_start3A_211] : memref<84x80xi32, #tpu.memory_space<vmem>> -> memref<1x80xi32, #tpu.memory_space<vmem>>
      %dma_start3A_213 = tpu.memref_squeeze %dma_start3A_212 : memref<1x80xi32, #tpu.memory_space<vmem>> -> memref<80xi32, #tpu.memory_space<vmem>>
      %dma_start3A_214 = arith.constant 0 : i32
      %dma_start3A_215 = arith.constant 0 : i32
      %dma_start3A_216 = tpu.memref_slice %arg12[%dma_start3A_214, %dma_start3A_215] : memref<10256x64xf32, #tpu.memory_space<vmem_shared>> -> memref<10256x64xf32, #tpu.memory_space<vmem_shared>>
      tpu.enqueue_indirect_dma source(%arg10 : memref<80x64xf32, #tpu.memory_space<vmem>>) target(%dma_start3A_216 : memref<10256x64xf32, #tpu.memory_space<vmem_shared>>) offsets(%dma_start3A_213 : memref<80xi32, #tpu.memory_space<vmem>>) semaphore(%arg14 : memref<!tpu.dma_semaphore, #tpu.memory_space<semaphore_mem>>) {add = true}
      %mul3A_217 = arith.constant 4 : i32
      %mul3A_218 = arith.muli %scan3A_131, %mul3A_217 : i32
      %add3A_219 = arith.constant 3 : i32
      %add3A_220 = arith.addi %mul3A_218, %add3A_219 : i32
      %dma_wait3A_221 = arith.constant 0 : i32
      %dma_wait3A_222 = tpu.memref_slice %arg6[%add3A_220, %dma_wait3A_221] : memref<84x80xi32, #tpu.memory_space<vmem>> -> memref<1x80xi32, #tpu.memory_space<vmem>>
      %dma_wait3A_223 = tpu.memref_squeeze %dma_wait3A_222 : memref<1x80xi32, #tpu.memory_space<vmem>> -> memref<80xi32, #tpu.memory_space<vmem>>
      %dma_wait3A_224 = arith.constant 0 : i32
      %dma_wait3A_225 = arith.constant 0 : i32
      %dma_wait3A_226 = tpu.memref_slice %arg2[%dma_wait3A_224, %dma_wait3A_225] : memref<20000x64xf32, #tpu.memory_space<hbm>> -> memref<20000x64xf32, #tpu.memory_space<hbm>>
      tpu.wait_indirect_dma semaphore(%arg13 : memref<!tpu.dma_semaphore, #tpu.memory_space<semaphore_mem>>) src(%dma_wait3A_226 : memref<20000x64xf32, #tpu.memory_space<hbm>>) dst(%arg11 : memref<80x64xf32, #tpu.memory_space<vmem>>)
      %ge3A_227 = arith.constant 1 : i32
      %ge3A_228 = arith.cmpi sge, %add3A_220, %ge3A_227 : i32
      %convert_element_type3A_229 = arith.extui %ge3A_228 : i1 to i32
      %cond3A_230 = arith.constant 0 : i32
      %cond3A_231 = arith.cmpi ne, %convert_element_type3A_229, %cond3A_230 : i32
      scf.if %cond3A_231 {
        %sub3A_247 = arith.constant 1 : i32
        %sub3A_248 = arith.subi %add3A_220, %sub3A_247 : i32
        %dma_wait3A_249 = arith.constant 0 : i32
        %dma_wait3A_250 = tpu.memref_slice %arg7[%sub3A_248, %dma_wait3A_249] : memref<84x80xi32, #tpu.memory_space<vmem>> -> memref<1x80xi32, #tpu.memory_space<vmem>>
        %dma_wait3A_251 = tpu.memref_squeeze %dma_wait3A_250 : memref<1x80xi32, #tpu.memory_space<vmem>> -> memref<80xi32, #tpu.memory_space<vmem>>
        %dma_wait3A_252 = arith.constant 0 : i32
        %dma_wait3A_253 = arith.constant 0 : i32
        %dma_wait3A_254 = tpu.memref_slice %arg12[%dma_wait3A_252, %dma_wait3A_253] : memref<10256x64xf32, #tpu.memory_space<vmem_shared>> -> memref<10256x64xf32, #tpu.memory_space<vmem_shared>>
        tpu.wait_indirect_dma semaphore(%arg14 : memref<!tpu.dma_semaphore, #tpu.memory_space<semaphore_mem>>) src(%arg10 : memref<80x64xf32, #tpu.memory_space<vmem>>) dst(%dma_wait3A_254 : memref<10256x64xf32, #tpu.memory_space<vmem_shared>>)
      } else {
      }
      %add3A_232 = arith.constant 4 : i32
      %add3A_233 = arith.addi %add3A_220, %add3A_232 : i32
      %sub3A_234 = arith.constant 1 : i32
      %sub3A_235 = arith.subi %add3A_233, %sub3A_234 : i32
      %lt3A_236 = arith.constant 84 : i32
      %lt3A_237 = arith.cmpi slt, %sub3A_235, %lt3A_236 : i32
      %convert_element_type3A_238 = arith.extui %lt3A_237 : i1 to i32
      %cond3A_239 = arith.constant 0 : i32
      %cond3A_240 = arith.cmpi ne, %convert_element_type3A_238, %cond3A_239 : i32
      scf.if %cond3A_240 {
        %add3A_247 = arith.constant 4 : i32
        %add3A_248 = arith.addi %add3A_220, %add3A_247 : i32
        %sub3A_249 = arith.constant 1 : i32
        %sub3A_250 = arith.subi %add3A_248, %sub3A_249 : i32
        %dma_start3A_251 = arith.constant 0 : i32
        %dma_start3A_252 = tpu.memref_slice %arg6[%sub3A_250, %dma_start3A_251] : memref<84x80xi32, #tpu.memory_space<vmem>> -> memref<1x80xi32, #tpu.memory_space<vmem>>
        %dma_start3A_253 = tpu.memref_squeeze %dma_start3A_252 : memref<1x80xi32, #tpu.memory_space<vmem>> -> memref<80xi32, #tpu.memory_space<vmem>>
        %dma_start3A_254 = arith.constant 0 : i32
        %dma_start3A_255 = arith.constant 0 : i32
        %dma_start3A_256 = tpu.memref_slice %arg2[%dma_start3A_254, %dma_start3A_255] : memref<20000x64xf32, #tpu.memory_space<hbm>> -> memref<20000x64xf32, #tpu.memory_space<hbm>>
        tpu.enqueue_indirect_dma source(%dma_start3A_256 : memref<20000x64xf32, #tpu.memory_space<hbm>>) target(%arg10 : memref<80x64xf32, #tpu.memory_space<vmem>>) offsets(%dma_start3A_253 : memref<80xi32, #tpu.memory_space<vmem>>) semaphore(%arg13 : memref<!tpu.dma_semaphore, #tpu.memory_space<semaphore_mem>>)
      } else {
      }
      %dma_start3A_241 = arith.constant 0 : i32
      %dma_start3A_242 = tpu.memref_slice %arg7[%add3A_220, %dma_start3A_241] : memref<84x80xi32, #tpu.memory_space<vmem>> -> memref<1x80xi32, #tpu.memory_space<vmem>>
      %dma_start3A_243 = tpu.memref_squeeze %dma_start3A_242 : memref<1x80xi32, #tpu.memory_space<vmem>> -> memref<80xi32, #tpu.memory_space<vmem>>
      %dma_start3A_244 = arith.constant 0 : i32
      %dma_start3A_245 = arith.constant 0 : i32
      %dma_start3A_246 = tpu.memref_slice %arg12[%dma_start3A_244, %dma_start3A_245] : memref<10256x64xf32, #tpu.memory_space<vmem_shared>> -> memref<10256x64xf32, #tpu.memory_space<vmem_shared>>
      tpu.enqueue_indirect_dma source(%arg11 : memref<80x64xf32, #tpu.memory_space<vmem>>) target(%dma_start3A_246 : memref<10256x64xf32, #tpu.memory_space<vmem_shared>>) offsets(%dma_start3A_243 : memref<80xi32, #tpu.memory_space<vmem>>) semaphore(%arg14 : memref<!tpu.dma_semaphore, #tpu.memory_space<semaphore_mem>>) {add = true}
    }
    %scan3A_119 = arith.constant 21 : i32
    %dma_wait3A_120 = arith.constant 83 : i32
    %dma_wait3A_121 = arith.constant 0 : i32
    %dma_wait3A_122 = tpu.memref_slice %arg7[%dma_wait3A_120, %dma_wait3A_121] : memref<84x80xi32, #tpu.memory_space<vmem>> -> memref<1x80xi32, #tpu.memory_space<vmem>>
    %dma_wait3A_123 = tpu.memref_squeeze %dma_wait3A_122 : memref<1x80xi32, #tpu.memory_space<vmem>> -> memref<80xi32, #tpu.memory_space<vmem>>
    %dma_wait3A_124 = arith.constant 0 : i32
    %dma_wait3A_125 = arith.constant 0 : i32
    %dma_wait3A_126 = tpu.memref_slice %arg12[%dma_wait3A_124, %dma_wait3A_125] : memref<10256x64xf32, #tpu.memory_space<vmem_shared>> -> memref<10256x64xf32, #tpu.memory_space<vmem_shared>>
    tpu.wait_indirect_dma semaphore(%arg14 : memref<!tpu.dma_semaphore, #tpu.memory_space<semaphore_mem>>) src(%arg11 : memref<80x64xf32, #tpu.memory_space<vmem>>) dst(%dma_wait3A_126 : memref<10256x64xf32, #tpu.memory_space<vmem_shared>>)
    %barrier3A_127 = arith.constant 0 : index
    tpu.barrier barrier_id(%barrier3A_127)
    %mul3A_128 = arith.constant 10240 : i32
    %mul3A_129 = arith.muli %arg0, %mul3A_128 : i32
    %add3A_130 = arith.addi %mul3A_129, %mul3A_6 : i32
    "tpu.region"() ({
      %run_scoped3A_131 = tpu.sem_alloc : memref<!tpu.dma_semaphore, #tpu.memory_space<semaphore_mem>>
      %dma_start3A_132 = arith.constant 0 : i32
      %dma_start3A_133 = tpu.memref_slice %arg5[%add3A_130, %dma_start3A_132] : memref<20480x64xf32, #tpu.memory_space<hbm>> -> memref<640x64xf32, #tpu.memory_space<hbm>>
      %dma_start3A_134 = arith.constant 0 : i32
      %dma_start3A_135 = tpu.memref_slice %arg12[%mul3A_6, %dma_start3A_134] : memref<10256x64xf32, #tpu.memory_space<vmem_shared>> -> memref<640x64xf32, #tpu.memory_space<vmem_shared>>
      tpu.enqueue_dma source(%dma_start3A_135 : memref<640x64xf32, #tpu.memory_space<vmem_shared>>) target(%dma_start3A_133 : memref<640x64xf32, #tpu.memory_space<hbm>>) target_semaphore(%run_scoped3A_131 : memref<!tpu.dma_semaphore, #tpu.memory_space<semaphore_mem>>)
      %dma_wait3A_136 = arith.constant 0 : i32
      %dma_wait3A_137 = tpu.memref_slice %arg5[%add3A_130, %dma_wait3A_136] : memref<20480x64xf32, #tpu.memory_space<hbm>> -> memref<640x64xf32, #tpu.memory_space<hbm>>
      %dma_wait3A_138 = arith.constant 0 : i32
      %dma_wait3A_139 = tpu.memref_slice %arg12[%mul3A_6, %dma_wait3A_138] : memref<10256x64xf32, #tpu.memory_space<vmem_shared>> -> memref<640x64xf32, #tpu.memory_space<vmem_shared>>
      tpu.wait_dma2 semaphore(%run_scoped3A_131 : memref<!tpu.dma_semaphore, #tpu.memory_space<semaphore_mem>>) src(%dma_wait3A_139 : memref<640x64xf32, #tpu.memory_space<vmem_shared>>) dst(%dma_wait3A_137 : memref<640x64xf32, #tpu.memory_space<hbm>>)
      tpu.yield
    }) : () -> ()
    return
  }
}

</mosaic_0001>

<sc_bundles>
// kernel: _seg_sum.3.cloned.1.call-start
scs
__scs_entry_jumppad:
0x0: {  	(pc) =	sbr.rel $0x88, $3  }
0x1: {  	(tag) =	ssettag $0x0;
	lr =	simm.s32 $0x1  }
0x2: {  	[smem:$0x3F9E] =	sst lr;
	_ =	strace $0xD0000000  }
0x3: {  	_ = 	snop  }
0x4: {  	_ = 	snop  }
0x5: {  	_ = 	snop  }
0x6: {  	_ = 	snop  }
0x7: {  	_ = 	snop  }
__scs_overlays_trampoline_lowered:
0x8: {  	[smem:$0x3FAD] =	sst s0  }
0x9: {  	[smem:$0x3FAE] =	sst s1  }
0xa: {  	[smem:$0x3FAF] =	sst s2  }
0xb: {  	[smem:$0x3FB0] =	sst s3  }
0xc: {  	[smem:$0x3FB1] =	sst s4  }
0xd: {  	[smem:$0x3FB2] =	sst s5  }
0xe: {  	[smem:$0x3FB3] =	sst s6  }
0xf: {  	[smem:$0x3FB4] =	sst s7  }
0x10: {  	[smem:$0x3FB5] =	sst s8  }
0x11: {  	[smem:$0x3FB6] =	sst s9;
	s0 =	simm.s32 @!p0 $0x0  }
0x12: {  	s1 =	sld [smem:$0x3F9C];
	s0 =	simm.s32 @p0 $0x1  }
0x13: {  	[smem:$0x3FB7] =	sst s0;
	s0 =	simm.s32 @!p1 $0x0  }
0x14: {  	s2 =	sld [smem:$0x3F9B];
	s0 =	simm.s32 @p1 $0x1  }
0x15: {  	[smem:$0x3FB8] =	sst s0;
	s0 =	simm.s32 @!p2 $0x0  }
0x16: {  	s3 =	sld [smem:$0x3FDB];
	s0 =	simm.s32 @p2 $0x1  }
0x17: {  	s4 =	simm.s32 $0x1BF5;
	[smem:$0x3FBA] =	sst s0  }
0x18: {  	s0 =	sld [smem:$0x3F9D];
	_ =	swait.ge [sflag:s4], $0x0  }
0x19: {  	s7 =	sld [smem:$0x3F9E]  }
0x1a: {  	s8 =	sadd.s32 $0xFFFFE003, lr  }
0x1b: {  	s9 =	sadd.s32 $0xFFFFFEF7, lr;
	s5 =	simm.s32 $0xFFFFFFFF;
	p2 =	slt.u32 s8, $0xFFFFF086  }
0x1c: {  	p1 =	slt.u32 s9, $0xF7A;
	s5 =	simm.s32 @!p2 $0x0  }
0x1d: {  	s5 =	simm.s32 @p1 $0x1;
	p0 =	seq.s32 s7, s2  }
0x1e: {  	s7 =	smul.u32 @!p0 $0xF7A, s2;
	p2 =	seq.s32 @!p0 s5, $0x0  }
0x1f: {  	s9 =	smul.u32 $0xF7A, s1;
	s8 =	simm.s32 @!p0 $0x1BF5;
	p2 =	por !p2, p0  }
0x20: {  	[sflag:s8] =	ssyncset.s32 @!p0 $0xFFFFF086;
	s6 =	sadd.s32 @!p0 s3, s7;
	s7 =	simm.s32 @!p0 $0x108  }
0x21: {  	s3 =	sadd.s32 s3, s9;
	s6 =	sadd.s32 @!p0 $0x88, s6;
	s7 =	simm.s32 @p2 $0x1082  }
0x22: {  	[simem:s7], [sflag:s8] =	dma.local @!p0 [hbm:s6], $0xF7A  }
0x23: {  	s9 =	sor.u32 $0xD0000000, s2;
	s6 =	simm.s32 $0x108;
	_ =	swait.ge @!p0 [sflag:s8], $0x0  }
0x24: {  	s3 =	sadd.s32 $0x88, s3;
	s6 =	simm.s32 @!p1 $0x1082;
	[sflag:s4] =	ssyncset.s32 $0xFFFFF086  }
0x25: {  	[simem:s6], [sflag:s4] =	dma.local [hbm:s3], $0xF7A  }
0x26: {  	[smem:$0x3F9E] =	sst s1;
	(tag) =	ssettag s2;
	_ =	strace s9  }
0x27: {  	s1 =	sld [smem:$0x3FAE]  }
0x28: {  	s2 =	sld [smem:$0x3FAF]  }
0x29: {  	s4 =	sld [smem:$0x3FB1]  }
0x2a: {  	p0 =	seq.s32 s5, $0x0;
	s5 =	sld [smem:$0x3FB2]  }
0x2b: {  	s6 =	sld [smem:$0x3FB3]  }
0x2c: {  	s7 =	sld [smem:$0x3FB4]  }
0x2d: {  	s3 =	simm.s32 $0x108;
	s8 =	sld [smem:$0x3FB5]  }
0x2e: {  	s3 =	simm.s32 @!p0 $0x1082;
	s9 =	sld [smem:$0x3FB6]  }
0x2f: {  	lr =	sadd.s32 s0, s3;
	s0 =	sld [smem:$0x3FAD]  }
0x30: {  	s3 =	sld [smem:$0x3FB0]  }
0x31: {  	[smem:$0x3FB9] =	sst s10  }
0x32: {  	s10 =	sld [smem:$0x3FB7];
	_ =	sdelay $0x3  }
0x33: {  	p0 =	seq.s32 s10, $0x1;
	s10 =	sld [smem:$0x3FB9];
	_ =	sdelay $0x3  }
0x34: {  	[smem:$0x3FB9] =	sst s10  }
0x35: {  	s10 =	sld [smem:$0x3FB8];
	_ =	sdelay $0x3  }
0x36: {  	p1 =	seq.s32 s10, $0x1;
	s10 =	sld [smem:$0x3FB9];
	_ =	sdelay $0x3  }
0x37: {  	[smem:$0x3FB9] =	sst s10  }
0x38: {  	s10 =	sld [smem:$0x3FBA]  }
0x39: {  	_ = 	snop;
	(pc) =	sbr.ind lr, $3  }
0x3a: {  	_ = 	snop  }
0x3b: {  	_ = 	snop  }
0x3c: {  	p2 =	seq.s32 s10, $0x1;
	s10 =	sld [smem:$0x3FB9]  }
0x3d: {  	_ =	shalt  }
0x3e: {  	_ =	shalt  }
0x3f: {  	_ =	shalt  }
0x40: {  	_ =	shalt  }
0x41: {  	_ =	shalt  }
0x42: {  	_ =	shalt  }
0x43: {  	_ =	shalt  }
0x44: {  	_ =	shalt  }
0x45: {  	_ =	shalt  }
0x46: {  	_ =	shalt  }
0x47: {  	_ =	shalt  }
0x48: {  	_ =	shalt  }
0x49: {  	_ =	shalt  }
0x4a: {  	_ =	shalt  }
0x4b: {  	_ =	shalt  }
0x4c: {  	_ =	shalt  }
0x4d: {  	_ =	shalt  }
0x4e: {  	_ =	shalt  }
0x4f: {  	_ =	shalt  }
0x50: {  	_ =	shalt  }
0x51: {  	_ =	shalt  }
0x52: {  	_ =	shalt  }
0x53: {  	_ =	shalt  }
0x54: {  	_ =	shalt  }
0x55: {  	_ =	shalt  }
0x56: {  	_ =	shalt  }
0x57: {  	_ =	shalt  }
0x58: {  	_ =	shalt  }
0x59: {  	_ =	shalt  }
0x5a: {  	_ =	shalt  }
0x5b: {  	_ =	shalt  }
0x5c: {  	_ =	shalt  }
0x5d: {  	_ =	shalt  }
0x5e: {  	_ =	shalt  }
0x5f: {  	_ =	shalt  }
0x60: {  	_ =	shalt  }
0x61: {  	_ =	shalt  }
0x62: {  	_ =	shalt  }
0x63: {  	_ =	shalt  }
0x64: {  	_ =	shalt  }
0x65: {  	_ =	shalt  }
0x66: {  	_ =	shalt  }
0x67: {  	_ =	shalt  }
0x68: {  	_ =	shalt  }
0x69: {  	_ =	shalt  }
0x6a: {  	_ =	shalt  }
0x6b: {  	_ =	shalt  }
0x6c: {  	_ =	shalt  }
0x6d: {  	_ =	shalt  }
0x6e: {  	_ =	shalt  }
0x6f: {  	_ =	shalt  }
0x70: {  	_ =	shalt  }
0x71: {  	_ =	shalt  }
0x72: {  	_ =	shalt  }
0x73: {  	_ =	shalt  }
0x74: {  	_ =	shalt  }
0x75: {  	_ =	shalt  }
0x76: {  	_ =	shalt  }
0x77: {  	_ =	shalt  }
0x78: {  	_ =	shalt  }
0x79: {  	_ =	shalt  }
0x7a: {  	_ =	shalt  }
0x7b: {  	_ =	shalt  }
0x7c: {  	_ =	shalt  }
0x7d: {  	_ =	shalt  }
0x7e: {  	_ =	shalt  }
0x7f: {  	_ =	shalt  }
0x80: {  	_ =	shalt  }
0x81: {  	_ =	shalt  }
0x82: {  	_ =	shalt  }
0x83: {  	_ =	shalt  }
0x84: {  	_ =	shalt  }
0x85: {  	_ =	shalt  }
0x86: {  	_ =	shalt  }
0x87: {  	_ =	shalt  }
.Lfunc_end0:
.L_simem_size_0:
called_computation_lowered:
.L_overlay_start_0:
0x88: {  	s2 =	sld [smem:$0x3FD9]  }
0x89: {  	s3 =	sld [smem:$0x3FFE];
	_ =	sdelay $0x1  }
0x8a: {  	s1 =	srdreg.scid  }
0x8b: {  	s0 =	sand.u32 $0x1, s1  }
0x8c: {  	s17 =	sshll.u32 s0, $0xA;
	s2 =	sadd.s32 s3, s2  }
0x8d: {  	s2 =	sadd.s32 s2, s17  }
0x8e: {  	[smem:$0x3FC5] =	sst s2  }
0x8f: {  	_ = 	snop  }
0x90: {  	s2 =	sld [smem:$0x3FD0];
	(tm) =	ssettm $0x1  }
0x91: {  	s18 =	sld [smem:$0x3FFB];
	_ =	sdelay $0x3  }
0x92: {  	_ =	strace s18  }
0x93: {  	s3 =	sld [smem:$0x3FFC];
	_ =	sdelay $0x3  }
0x94: {  	_ =	strace s3  }
0x95: {  	s3 =	sld [smem:$0x3FFD];
	_ =	sdelay $0x3  }
0x96: {  	_ =	strace s3  }
0x97: {  	_ =	strace $0x8FFFFFFF  }
0x98: {  	s19 =	sld [smem:$0x3FDB];
	_ =	sdelay $0x1  }
0x99: {  	s4 =	simm.s32 $_scs_section_size  }
0x9a: {  	s5 =	simm.s32 $_size__tile_overlayer_lowered;
	s6 =	simm.s32 $_tile_overlayer_lowered  }
0x9b: {  	s22 =	simm.s32 $0x1BFF;
	s21 =	sshll.u32 s6, $0x1;
	s3 =	sadd.s32 s4, s19  }
0x9c: {  	s7 =	simm.s32 $0x0;
	s20 =	sshll.u32 s5, $0x1;
	s5 =	sadd.s32 s21, s3  }
0x9d: {  	[timem:s7], [sflag:s22] =	dma.local [hbm:s5], s20  }
0x9e: {  	_ =	swait.ge [sflag:s22], s20  }
0x9f: {  	s4 =	ssub.s32 $0x0, s20;
	[sflag:s22] =	ssyncset.done $0x0  }
0xa0: {  	[sflag:s22] =	ssyncadd.s32 s4;
	_ =	sdelay $0x1  }
0xa1: {  	s23 =	simm.s32 $0x1B8B  }
0xa2: {  	_ =	swait.ge [sflag:s23], $0x1  }
0xa3: {  	[sflag:s23] =	ssyncset.done $0x0  }
0xa4: {  	s25 =	simm.s32 $0x1B8E;
	s24 =	sld [smem:$0x3FFE];
	[sflag:s23] =	ssyncadd.s32 $0xFFFFFFFF  }
0xa5: {  	s26 =	simm.s32 $execute0_lowered;
	[smem:$0x3FD2] =	sst s25  }
0xa6: {  	s5 =	sshll.u32 s26, $0x1;
	_ =	strace $0x80000046;
	[dreg:$0x1] =	wrdreg $0xFFFFFFFF  }
0xa7: {  	s28 =	simm.s32 $_size_execute0_lowered;
	s3 =	sadd.s32 s3, s5;
	[dreg:$0x0] =	wrdreg $0x0  }
0xa8: {  	s5 =	sshll.u32 s28, $0x1;
	[dreg:$0x2] =	wrdreg s3  }
0xa9: {  	[dreg:$0x3] =	wrdreg s5  }
0xaa: {  	[dreg:$0x4] =	wrdreg $0xC0  }
0xab: {  	_ =	task [dreg:s7], $0x5FFFF  }
0xac: {  	[dreg:$0x1] =	wrdreg $0xFFFFFFFF  }
0xad: {  	[dreg:$0x0] =	wrdreg $0x60  }
0xae: {  	[dreg:$0x2] =	wrdreg s24  }
0xaf: {  	[dreg:$0x3] =	wrdreg s2  }
0xb0: {  	[dreg:$0x4] =	wrdreg $0x84800  }
0xb1: {  	[dreg:$0x5] =	wrdreg $0x9  }
0xb2: {  	_ =	task.clear_ibuf [dreg:s7], $0x6FFFF;
	_ =	strace $0x90000046  }
0xb3: {  	s29 =	simm.s32 $0x9;
	_ =	strace $0x80000048  }
0xb4: {  	_ =	swait.ge [sflag:s29], $0x1  }
0xb5: {  	[sflag:s29] =	ssyncadd.s32 $0xFFFFFFFF  }
0xb6: {  	_ =	strace $0x90000048  }
0xb7: {  	_ =	sfence  }
0xb8: {  	s30 =	sld [smem:$0x0];
	_ =	sdelay $0x2  }
0xb9: {  	s31 =	sshll.u32 s1, $0xD;
	s1 =	sshrl.u32 s1, $0x2  }
0xba: {  	s3 =	sand.u32 $0x4000, s31;
	s1 =	sadd.s32 s1, s30  }
0xbb: {  	s0 =	sor.u32 s3, s0;
	s1 =	sshll.u32 s1, $0x11  }
0xbc: {  	s0 =	sor.u32 s1, s0  }
0xbd: {  	s0 =	sadd.s32 $0x8F2B, s0  }
0xbe: {  	[sflag:s0] =	ssyncadd.remote.s32 $0x1  }
0xbf: {  	_ =	sfence.sel $0xFFFF  }
0xc0: {  	[dreg:$0x0] =	wrdreg $0xFFFFFFFF;
	(pc) =	sbr.abs _section_cstart, $3  }
0xc1: {  	[dreg:$0x1] =	wrdreg $0xFFFFFFFF  }
0xc2: {  	_ =	task.clear_ibuf [dreg:s7], $0x2FFFF;
	_ =	strace $0x9FFFFFFF  }
0xc3: {  	(tm) =	ssettm $0x7FFFFFFF  }
tec
execute0_lowered:
.L_overlay_start_1:
0x0: {  	(tag) =	ssettag $0x1  }
0x1: {  	s11 =	stileid.u32  }
0x2: {  	s0 =	srdreg.scid;
	s5 =	smul.u32 $0x4EC0, s11  }
0x3: {  	s1 =	rddreg [dreg:$0x0];
	s0 =	sand.u32 $0x1, s0;
	s8 =	smul.u32 $0x28000, s11  }
0x4: {  	s6 =	rddreg [dreg:$0x1];
	s4 =	smul.u32 $0x4EC00, s0  }
0x5: {  	s2 =	rddreg [dreg:$0x2];
	s3 =	simm.s32 $0x0  }
0x6: {  	s28 =	simm.s32 $0x5C80;
	s8 =	sshrl.u32 s8, $0x2;
	s4 =	sadd.s32 s5, s4  }
0x7: {  	s5 =	sshrl.u32 s5, $0x3;
	s7 =	sshrl.u32 s4, $0x3;
	s4 =	sadd.s32 $0x800, s1  }
0x8: {  	s7 =	sadd.s32 s7, s1;
	s1 =	sadd.s32 s5, s1;
	s5 =	sadd.s32 s8, s2  }
0x9: {  	s29 =	simm.s32 $0x1;
	[smem:$0x7FF] =	sst s3;
	s16 =	sadd.s32 $0x1400, s5  }
0xa: {  	_ =	strace $0x80000047;
	s17 =	sadd.s32 $0x2800, s5;
	[dreg:$0x4] =	wrdreg s16  }
0xb: {  	s30 =	simm.s32 $0xF0;
	s18 =	sadd.s32 $0x3C00, s5;
	[dreg:$0x5] =	wrdreg s17  }
0xc: {  	s31 =	simm.s32 $0x7080;
	s19 =	sadd.s32 $0x5000, s5;
	[dreg:$0x6] =	wrdreg s18  }
0xd: {  	s15 =	smul.u32 $0x1400, s11;
	s20 =	sadd.s32 $0x6400, s5;
	[dreg:$0x7] =	wrdreg s19  }
0xe: {  	s9 =	ssub.s32 $0x2, s0;
	s21 =	sadd.s32 $0x7800, s5;
	[dreg:$0x8] =	wrdreg s20  }
0xf: {  	s0 =	smul.u32 $0x14000, s0;
	s22 =	sadd.s32 $0x8C00, s5;
	[dreg:$0x9] =	wrdreg s21  }
0x10: {  	s10 =	sshrl.u32 s9, $0x1;
	s23 =	sadd.s32 $0x27A00, s7;
	[dreg:$0xa] =	wrdreg s22  }
0x11: {  	s14 =	ssub.s32 s9, s10;
	s24 =	sadd.s32 $0x3B600, s1;
	[dreg:$0xb] =	wrdreg s23  }
0x12: {  	s0 =	sadd.s32 s15, s0;
	s25 =	sadd.s32 $0x27D48, s7;
	[dreg:$0xc] =	wrdreg s24  }
0x13: {  	s9 =	simm.s32 $0x1E0;
	s26 =	sadd.s32 $0x3B948, s1;
	[dreg:$0xd] =	wrdreg s25  }
0x14: {  	s10 =	simm.s32 $0x1B30;
	s8 =	simm.s32 $0x1AE0;
	[dreg:$0xe] =	wrdreg s26  }
.Ltmp0:
0x15: {  	s17 =	sadd.s32 $0x28090, s7;
	s18 =	sadd.s32 $0x3BC90, s1;
	(pc) =	sbr.rel .LBB2_1-.Ltmp0, $4  }
0x16: {  	s19 =	sadd.s32 s6, s0;
	s20 =	smax.u32 s14, $0x1;
	s21 =	simm.s32 $0x3480  }
0x17: {  	s22 =	simm.s32 $0x3;
	s23 =	simm.s32 $0x1A40;
	s24 =	simm.s32 $0x50  }
0x18: {  	s25 =	simm.s32 $0x4880;
	s26 =	simm.s32 $0xA0;
	s1 =	simm.s32 $0x2  }
0x19: {  	v0 =	vimm.f32 $0.0e+00;
	s0 =	simm.s32 $0x140;
	s6 =	simm.s32 $0x1A90;
	s7 =	simm.s32 $0x190  }
.LBB2_12:
0x1a: {  	[spmem:s2] =	stream.indirect.scatter.add.f32 [tilespmem:s31], [sflag:$0x2], $0x40, s13, s24, $0xb8;
	[tilespmem:$0x124C0] =	vst v63  }
0x1b: {  	s11 =	stileid.u32;
	_ =	swait.ge [sflag:s1], $0x1400  }
0x1c: {  	s12 =	sshrl.u32 s5, $0x3;
	s3 =	sadd.s32 $0x1, s3;
	[sflag:s1] =	ssyncset.done $0x0  }
0x1d: {  	s11 =	sshll.u32 s11, $0x6;
	p0 =	sne.s32 s3, s20;
	[sflag:s1] =	ssyncadd.s32 $0xFFFFEC00  }
.Ltmp1:
0x1e: {  	s11 =	sor.u32 $0x1C03, s11;
	[bflag:$0x0] =	sbarrier.arrive $0xFFFF;
	(pc) =	sbr.rel @!p0 .LBB2_13-.Ltmp1, $4  }
0x1f: {  	[hbm:s19], [sflag:s11] =	dma.local [spmem:s12], $0x1400  }
0x20: {  	_ =	swait.ge [sflag:s22], $0x1400  }
0x21: {  	[sflag:s22] =	ssyncset.done $0x0  }
0x22: {  	[sflag:s22] =	ssyncadd.s32 $0xFFFFEC00  }
.LBB2_1:
0x23: {  	s12 =	simm.s32 $0x100;
	s11 =	simm.s32 $0x0  }
.LBB2_2:
0x24: {  	p0 =	sne.s32 s12, $0x4F00;
	[tilespmem:s11+$0x34B0] =	vst v0;
	s13 =	smov.u32 s12;
	s12 =	sadd.s32 $0x100, s12  }
.Ltmp2:
0x25: {  	[tilespmem:s11+$0x34A0] =	vst v0;
	(pc) =	sbr.rel @p0 .LBB2_2-.Ltmp2, $3  }
0x26: {  	[tilespmem:s11+$0x3480] =	vst v0  }
0x27: {  	[tilespmem:s11+$0x3490] =	vst v0;
	_ =	sdelay $0x1  }
0x28: {  	s11 =	sshra.s32 s13, $0x2  }
0x29: {  	[tilespmem:s11+$0x34B0] =	vst v0  }
0x2a: {  	[tilespmem:s11+$0x34A0] =	vst v0  }
0x2b: {  	[tilespmem:s11+$0x3480] =	vst v0  }
0x2c: {  	[tilespmem:s11+$0x3490] =	vst v0  }
0x2d: {  	[spmem:s5] =	stream.linear.scatter [tilespmem:s21], [sflag:$0x3], $0x1400, $0x38;
	[tilespmem:$0x124C0] =	vst v63  }
0x2e: {  	_ =	swait.ge [sflag:s22], $0x1400  }
0x2f: {  	[sflag:s22] =	ssyncset.done $0x0  }
0x30: {  	s14 =	rddreg [dreg:$0x4];
	[sflag:s22] =	ssyncadd.s32 $0xFFFFEC00  }
0x31: {  	[spmem:s14] =	stream.linear.scatter [tilespmem:s21], [sflag:$0x3], $0x1400, $0x38;
	[tilespmem:$0x124C0] =	vst v63  }
0x32: {  	_ =	swait.ge [sflag:s22], $0x1400  }
0x33: {  	[sflag:s22] =	ssyncset.done $0x0  }
0x34: {  	s15 =	rddreg [dreg:$0x5];
	[sflag:s22] =	ssyncadd.s32 $0xFFFFEC00  }
0x35: {  	[spmem:s15] =	stream.linear.scatter [tilespmem:s21], [sflag:$0x3], $0x1400, $0x38;
	[tilespmem:$0x124C0] =	vst v63  }
0x36: {  	_ =	swait.ge [sflag:s22], $0x1400  }
0x37: {  	[sflag:s22] =	ssyncset.done $0x0  }
0x38: {  	s16 =	rddreg [dreg:$0x6];
	[sflag:s22] =	ssyncadd.s32 $0xFFFFEC00  }
0x39: {  	[spmem:s16] =	stream.linear.scatter [tilespmem:s21], [sflag:$0x3], $0x1400, $0x38;
	[tilespmem:$0x124C0] =	vst v63  }
0x3a: {  	_ =	swait.ge [sflag:s22], $0x1400  }
0x3b: {  	[sflag:s22] =	ssyncset.done $0x0  }
0x3c: {  	s12 =	rddreg [dreg:$0x7];
	[sflag:s22] =	ssyncadd.s32 $0xFFFFEC00  }
0x3d: {  	[spmem:s12] =	stream.linear.scatter [tilespmem:s21], [sflag:$0x3], $0x1400, $0x38;
	[tilespmem:$0x124C0] =	vst v63  }
0x3e: {  	_ =	swait.ge [sflag:s22], $0x1400  }
0x3f: {  	[sflag:s22] =	ssyncset.done $0x0  }
0x40: {  	s13 =	rddreg [dreg:$0x8];
	[sflag:s22] =	ssyncadd.s32 $0xFFFFEC00  }
0x41: {  	[spmem:s13] =	stream.linear.scatter [tilespmem:s21], [sflag:$0x3], $0x1400, $0x38;
	[tilespmem:$0x124C0] =	vst v63  }
0x42: {  	_ =	swait.ge [sflag:s22], $0x1400  }
0x43: {  	[sflag:s22] =	ssyncset.done $0x0  }
0x44: {  	s14 =	rddreg [dreg:$0x9];
	[sflag:s22] =	ssyncadd.s32 $0xFFFFEC00  }
0x45: {  	[spmem:s14] =	stream.linear.scatter [tilespmem:s21], [sflag:$0x3], $0x1400, $0x38;
	[tilespmem:$0x124C0] =	vst v63  }
0x46: {  	_ =	swait.ge [sflag:s22], $0x1400  }
0x47: {  	[sflag:s22] =	ssyncset.done $0x0  }
0x48: {  	s15 =	rddreg [dreg:$0xa];
	[sflag:s22] =	ssyncadd.s32 $0xFFFFEC00  }
0x49: {  	[spmem:s15] =	stream.linear.scatter [tilespmem:s21], [sflag:$0x3], $0x1400, $0x38;
	[tilespmem:$0x124C0] =	vst v63  }
0x4a: {  	_ =	swait.ge [sflag:s22], $0x1400  }
0x4b: {  	[sflag:s22] =	ssyncset.done $0x0  }
0x4c: {  	[sflag:s22] =	ssyncadd.s32 $0xFFFFEC00  }
0x4d: {  	[bflag:$0x0] =	sbarrier.arrive $0xFFFF  }
0x4e: {  	s11 =	simm.s32 $0x0;
	s12 =	rddreg [dreg:$0xb]  }
0x4f: {  	[tilespmem:s11], [sflag:$0x3] =	stream.linear.gather [hbm4b:s12+s11], $0x1A40, $0x38;
	[tilespmem:$0x124C0] =	vst v63  }
0x50: {  	_ =	swait.ge [sflag:s22], $0x1A40  }
0x51: {  	[sflag:s22] =	ssyncset.done $0x0  }
0x52: {  	s16 =	rddreg [dreg:$0xc];
	[sflag:s22] =	ssyncadd.s32 $0xFFFFE5C0  }
0x53: {  	[tilespmem:s23], [sflag:$0x3] =	stream.linear.gather [hbm4b:s16+s11], $0x1A40, $0x38;
	[tilespmem:$0x124C0] =	vst v63  }
0x54: {  	_ =	swait.ge [sflag:s22], $0x1A40  }
0x55: {  	[sflag:s22] =	ssyncset.done $0x0  }
0x56: {  	[sflag:s22] =	ssyncadd.s32 $0xFFFFE5C0  }
0x57: {  	[tilespmem:s21], [sflag:$0x1] =	stream.indirect.gather [hbm4b:s4+s24], $0x40, s11, s24, $0xb8;
	[tilespmem:$0x124C0] =	vst v63  }
0x58: {  	_ = 	snop  }
0x59: {  	[tilespmem:s25], [sflag:$0x1] =	stream.indirect.gather [hbm4b:s4+s24], $0x40, s24, s24, $0xb8;
	[tilespmem:$0x124C0] =	vst v63  }
0x5a: {  	_ = 	snop  }
0x5b: {  	[tilespmem:s28], [sflag:$0x1] =	stream.indirect.gather [hbm4b:s4+s24], $0x40, s26, s24, $0xb8;
	[tilespmem:$0x124C0] =	vst v63  }
0x5c: {  	_ =	swait.ge [sflag:s29], $0x1400  }
0x5d: {  	[sflag:s29] =	ssyncset.done $0x0  }
0x5e: {  	[sflag:s29] =	ssyncadd.s32 $0xFFFFEC00  }
0x5f: {  	[tilespmem:s31], [sflag:$0x1] =	stream.indirect.gather [hbm4b:s4+s24], $0x40, s30, s24, $0xb8;
	[tilespmem:$0x124C0] =	vst v63  }
0x60: {  	_ = 	snop  }
0x61: {  	[spmem:s2] =	stream.indirect.scatter.add.f32 [tilespmem:s21], [sflag:$0x2], $0x40, s23, s24, $0xb8;
	[tilespmem:$0x124C0] =	vst v63  }
0x62: {  	_ =	swait.ge [sflag:s29], $0x1400  }
0x63: {  	[sflag:s29] =	ssyncset.done $0x0  }
0x64: {  	[sflag:s29] =	ssyncadd.s32 $0xFFFFEC00  }
0x65: {  	_ =	swait.ge [sflag:s1], $0x1400  }
0x66: {  	[sflag:s1] =	ssyncset.done $0x0  }
0x67: {  	[sflag:s1] =	ssyncadd.s32 $0xFFFFEC00  }
0x68: {  	[tilespmem:s21], [sflag:$0x1] =	stream.indirect.gather [hbm4b:s4+s24], $0x40, s0, s24, $0xb8;
	[tilespmem:$0x124C0] =	vst v63  }
0x69: {  	_ = 	snop  }
0x6a: {  	[spmem:s2] =	stream.indirect.scatter.add.f32 [tilespmem:s25], [sflag:$0x2], $0x40, s6, s24, $0xb8;
	[tilespmem:$0x124C0] =	vst v63  }
0x6b: {  	_ =	swait.ge [sflag:s29], $0x1400  }
0x6c: {  	[sflag:s29] =	ssyncset.done $0x0  }
0x6d: {  	[sflag:s29] =	ssyncadd.s32 $0xFFFFEC00  }
0x6e: {  	_ =	swait.ge [sflag:s1], $0x1400  }
0x6f: {  	[sflag:s1] =	ssyncset.done $0x0  }
0x70: {  	[sflag:s1] =	ssyncadd.s32 $0xFFFFEC00  }
0x71: {  	[tilespmem:s25], [sflag:$0x1] =	stream.indirect.gather [hbm4b:s4+s24], $0x40, s7, s24, $0xb8;
	[tilespmem:$0x124C0] =	vst v63  }
0x72: {  	_ = 	snop  }
0x73: {  	[spmem:s2] =	stream.indirect.scatter.add.f32 [tilespmem:s28], [sflag:$0x2], $0x40, s8, s24, $0xb8;
	[tilespmem:$0x124C0] =	vst v63  }
0x74: {  	_ =	swait.ge [sflag:s29], $0x1400  }
0x75: {  	[sflag:s29] =	ssyncset.done $0x0  }
0x76: {  	[sflag:s29] =	ssyncadd.s32 $0xFFFFEC00  }
0x77: {  	_ =	swait.ge [sflag:s1], $0x1400  }
0x78: {  	[sflag:s1] =	ssyncset.done $0x0  }
0x79: {  	[sflag:s1] =	ssyncadd.s32 $0xFFFFEC00  }
0x7a: {  	[tilespmem:s28], [sflag:$0x1] =	stream.indirect.gather [hbm4b:s4+s24], $0x40, s9, s24, $0xb8;
	[tilespmem:$0x124C0] =	vst v63  }
0x7b: {  	_ = 	snop  }
0x7c: {  	[spmem:s2] =	stream.indirect.scatter.add.f32 [tilespmem:s31], [sflag:$0x2], $0x40, s10, s24, $0xb8;
	[tilespmem:$0x124C0] =	vst v63  }
.LBB2_4:
0x7d: {  	_ =	swait.ge [sflag:s29], $0x1400  }
0x7e: {  	[sflag:s29] =	ssyncset.done $0x0  }
0x7f: {  	[sflag:s29] =	ssyncadd.s32 $0xFFFFEC00  }
0x80: {  	_ =	swait.ge [sflag:s1], $0x1400  }
0x81: {  	s12 =	sshra.s32 s11, $0x2;
	[sflag:s1] =	ssyncset.done $0x0  }
0x82: {  	s13 =	sadd.s32 $0x230, s12;
	[sflag:s1] =	ssyncadd.s32 $0xFFFFEC00  }
0x83: {  	[tilespmem:s31], [sflag:$0x1] =	stream.indirect.gather [hbm4b:s4+s24], $0x40, s13, s24, $0xb8;
	[tilespmem:$0x124C0] =	vst v63  }
0x84: {  	s15 =	sadd.s32 $0x1B80, s12  }
0x85: {  	[spmem:s2] =	stream.indirect.scatter.add.f32 [tilespmem:s21], [sflag:$0x2], $0x40, s15, s24, $0xb8;
	[tilespmem:$0x124C0] =	vst v63  }
0x86: {  	_ =	swait.ge [sflag:s29], $0x1400  }
0x87: {  	[sflag:s29] =	ssyncset.done $0x0  }
0x88: {  	[sflag:s29] =	ssyncadd.s32 $0xFFFFEC00  }
0x89: {  	p0 =	seq.s32 s11, $0x5F00;
	_ =	swait.ge [sflag:s1], $0x1400  }
0x8a: {  	s14 =	simm.s32 @p0 $0x50;
	s13 =	sshra.s32 @p0 s11, $0x2;
	[sflag:s1] =	ssyncset.done $0x0  }
0x8b: {  	s13 =	sadd.s32 @p0 $0x1BD0, s13;
	s15 =	simm.s32 @p0 $0x4880;
	[sflag:s1] =	ssyncadd.s32 $0xFFFFEC00  }
0x8c: {  	[spmem:s2] =	stream.indirect.scatter.add.f32 @p0 [tilespmem:s15], [sflag:$0x2], $0x40, s13, s14, $0xb8;
	[tilespmem:$0x124C0] =	vst v63  }
0x8d: {  	s13 =	simm.s32 @p0 $0x1  }
0x8e: {  	_ =	swait.ge @p0 [sflag:s13], $0x1400  }
0x8f: {  	[sflag:s13] =	ssyncset.done @p0 $0x0  }
0x90: {  	[sflag:s13] =	ssyncadd.s32 @p0 $0xFFFFEC00;
	s13 =	simm.s32 @p0 $0x2  }
0x91: {  	_ =	swait.ge @p0 [sflag:s13], $0x1400  }
0x92: {  	[sflag:s13] =	ssyncset.done @p0 $0x0  }
0x93: {  	[sflag:s13] =	ssyncadd.s32 @p0 $0xFFFFEC00;
	s13 =	sshra.s32 @!p0 s11, $0x2  }
0x94: {  	s16 =	simm.s32 @!p0 $0x3480;
	s15 =	simm.s32 @!p0 $0x50;
	s14 =	sadd.s32 @!p0 $0x280, s13  }
0x95: {  	[tilespmem:s16], [sflag:$0x1] =	stream.indirect.gather @!p0 [hbm4b:s4+s15], $0x40, s14, s15, $0xb8;
	[tilespmem:$0x124C0] =	vst v63  }
0x96: {  	s14 =	sadd.s32 @!p0 $0x1BD0, s13;
	s16 =	simm.s32 @!p0 $0x4880  }
0x97: {  	[spmem:s2] =	stream.indirect.scatter.add.f32 @!p0 [tilespmem:s16], [sflag:$0x2], $0x40, s14, s15, $0xb8;
	[tilespmem:$0x124C0] =	vst v63  }
0x98: {  	s14 =	simm.s32 @!p0 $0x1  }
0x99: {  	_ =	swait.ge @!p0 [sflag:s14], $0x1400  }
0x9a: {  	[sflag:s14] =	ssyncset.done @!p0 $0x0  }
0x9b: {  	[sflag:s14] =	ssyncadd.s32 @!p0 $0xFFFFEC00;
	s14 =	simm.s32 @!p0 $0x2  }
0x9c: {  	_ =	swait.ge @!p0 [sflag:s14], $0x1400  }
0x9d: {  	[sflag:s14] =	ssyncset.done @!p0 $0x0  }
0x9e: {  	s13 =	sadd.s32 @!p0 $0x2D0, s13;
	[sflag:s14] =	ssyncadd.s32 @!p0 $0xFFFFEC00  }
0x9f: {  	[tilespmem:s16], [sflag:$0x1] =	stream.indirect.gather @!p0 [hbm4b:s4+s15], $0x40, s13, s15, $0xb8;
	[tilespmem:$0x124C0] =	vst v63  }
0xa0: {  	s16 =	sadd.s32 $0x1C20, s12  }
0xa1: {  	[spmem:s2] =	stream.indirect.scatter.add.f32 [tilespmem:s28], [sflag:$0x2], $0x40, s16, s24, $0xb8;
	[tilespmem:$0x124C0] =	vst v63  }
0xa2: {  	_ =	swait.ge [sflag:s29], $0x1400  }
.Ltmp3:
0xa3: {  	[sflag:s29] =	ssyncset.done $0x0;
	(pc) =	sbr.rel @p0 .LBB2_6-.Ltmp3, $4  }
0xa4: {  	[sflag:s29] =	ssyncadd.s32 $0xFFFFEC00  }
0xa5: {  	_ =	swait.ge [sflag:s1], $0x1400  }
0xa6: {  	[sflag:s1] =	ssyncset.done $0x0  }
0xa7: {  	s13 =	sadd.s32 $0x1C70, s12;
	[sflag:s1] =	ssyncadd.s32 $0xFFFFEC00  }
.Ltmp4:
0xa8: {  	(pc) =	sbr.rel .LBB2_4-.Ltmp4, $4  }
0xa9: {  	s12 =	sadd.s32 $0x320, s12  }
0xaa: {  	[tilespmem:s28], [sflag:$0x1] =	stream.indirect.gather [hbm4b:s4+s24], $0x40, s12, s24, $0xb8;
	[tilespmem:$0x124C0] =	vst v63  }
0xab: {  	s11 =	sadd.s32 $0x500, s11  }
0xac: {  	[spmem:s2] =	stream.indirect.scatter.add.f32 [tilespmem:s31], [sflag:$0x2], $0x40, s13, s24, $0xb8;
	[tilespmem:$0x124C0] =	vst v63  }
.LBB2_6:
0xad: {  	[spmem:s2] =	stream.indirect.scatter.add.f32 [tilespmem:s31], [sflag:$0x2], $0x40, s13, s24, $0xb8;
	[tilespmem:$0x124C0] =	vst v63  }
0xae: {  	_ =	swait.ge [sflag:s1], $0x1400  }
0xaf: {  	[sflag:s1] =	ssyncset.done $0x0  }
0xb0: {  	s11 =	simm.s32 $0x0;
	s12 =	rddreg [dreg:$0xd];
	[sflag:s1] =	ssyncadd.s32 $0xFFFFEC00  }
0xb1: {  	[tilespmem:s11], [sflag:$0x3] =	stream.linear.gather [hbm4b:s12+s11], $0x1A40, $0x38;
	[tilespmem:$0x124C0] =	vst v63  }
0xb2: {  	_ =	swait.ge [sflag:s22], $0x1A40  }
0xb3: {  	[sflag:s22] =	ssyncset.done $0x0  }
0xb4: {  	s16 =	rddreg [dreg:$0xe];
	[sflag:s22] =	ssyncadd.s32 $0xFFFFE5C0  }
0xb5: {  	[tilespmem:s23], [sflag:$0x3] =	stream.linear.gather [hbm4b:s16+s11], $0x1A40, $0x38;
	[tilespmem:$0x124C0] =	vst v63  }
0xb6: {  	_ =	swait.ge [sflag:s22], $0x1A40  }
0xb7: {  	[sflag:s22] =	ssyncset.done $0x0  }
0xb8: {  	[sflag:s22] =	ssyncadd.s32 $0xFFFFE5C0  }
0xb9: {  	[tilespmem:s21], [sflag:$0x1] =	stream.indirect.gather [hbm4b:s4+s24], $0x40, s11, s24, $0xb8;
	[tilespmem:$0x124C0] =	vst v63  }
0xba: {  	_ = 	snop  }
0xbb: {  	[tilespmem:s25], [sflag:$0x1] =	stream.indirect.gather [hbm4b:s4+s24], $0x40, s24, s24, $0xb8;
	[tilespmem:$0x124C0] =	vst v63  }
0xbc: {  	_ = 	snop  }
0xbd: {  	[tilespmem:s28], [sflag:$0x1] =	stream.indirect.gather [hbm4b:s4+s24], $0x40, s26, s24, $0xb8;
	[tilespmem:$0x124C0] =	vst v63  }
0xbe: {  	_ =	swait.ge [sflag:s29], $0x1400  }
0xbf: {  	[sflag:s29] =	ssyncset.done $0x0  }
0xc0: {  	[sflag:s29] =	ssyncadd.s32 $0xFFFFEC00  }
0xc1: {  	[tilespmem:s31], [sflag:$0x1] =	stream.indirect.gather [hbm4b:s4+s24], $0x40, s30, s24, $0xb8;
	[tilespmem:$0x124C0] =	vst v63  }
0xc2: {  	_ = 	snop  }
0xc3: {  	[spmem:s2] =	stream.indirect.scatter.add.f32 [tilespmem:s21], [sflag:$0x2], $0x40, s23, s24, $0xb8;
	[tilespmem:$0x124C0] =	vst v63  }
0xc4: {  	_ =	swait.ge [sflag:s29], $0x1400  }
0xc5: {  	[sflag:s29] =	ssyncset.done $0x0  }
0xc6: {  	[sflag:s29] =	ssyncadd.s32 $0xFFFFEC00  }
0xc7: {  	_ =	swait.ge [sflag:s1], $0x1400  }
0xc8: {  	[sflag:s1] =	ssyncset.done $0x0  }
0xc9: {  	[sflag:s1] =	ssyncadd.s32 $0xFFFFEC00  }
0xca: {  	[tilespmem:s21], [sflag:$0x1] =	stream.indirect.gather [hbm4b:s4+s24], $0x40, s0, s24, $0xb8;
	[tilespmem:$0x124C0] =	vst v63  }
0xcb: {  	_ = 	snop  }
0xcc: {  	[spmem:s2] =	stream.indirect.scatter.add.f32 [tilespmem:s25], [sflag:$0x2], $0x40, s6, s24, $0xb8;
	[tilespmem:$0x124C0] =	vst v63  }
0xcd: {  	_ =	swait.ge [sflag:s29], $0x1400  }
0xce: {  	[sflag:s29] =	ssyncset.done $0x0  }
0xcf: {  	[sflag:s29] =	ssyncadd.s32 $0xFFFFEC00  }
0xd0: {  	_ =	swait.ge [sflag:s1], $0x1400  }
0xd1: {  	[sflag:s1] =	ssyncset.done $0x0  }
0xd2: {  	[sflag:s1] =	ssyncadd.s32 $0xFFFFEC00  }
0xd3: {  	[tilespmem:s25], [sflag:$0x1] =	stream.indirect.gather [hbm4b:s4+s24], $0x40, s7, s24, $0xb8;
	[tilespmem:$0x124C0] =	vst v63  }
0xd4: {  	_ = 	snop  }
0xd5: {  	[spmem:s2] =	stream.indirect.scatter.add.f32 [tilespmem:s28], [sflag:$0x2], $0x40, s8, s24, $0xb8;
	[tilespmem:$0x124C0] =	vst v63  }
0xd6: {  	_ =	swait.ge [sflag:s29], $0x1400  }
0xd7: {  	[sflag:s29] =	ssyncset.done $0x0  }
0xd8: {  	[sflag:s29] =	ssyncadd.s32 $0xFFFFEC00  }
0xd9: {  	_ =	swait.ge [sflag:s1], $0x1400  }
0xda: {  	[sflag:s1] =	ssyncset.done $0x0  }
0xdb: {  	[sflag:s1] =	ssyncadd.s32 $0xFFFFEC00  }
0xdc: {  	[tilespmem:s28], [sflag:$0x1] =	stream.indirect.gather [hbm4b:s4+s24], $0x40, s9, s24, $0xb8;
	[tilespmem:$0x124C0] =	vst v63  }
0xdd: {  	_ = 	snop  }
0xde: {  	[spmem:s2] =	stream.indirect.scatter.add.f32 [tilespmem:s31], [sflag:$0x2], $0x40, s10, s24, $0xb8;
	[tilespmem:$0x124C0] =	vst v63  }
.LBB2_7:
0xdf: {  	_ =	swait.ge [sflag:s29], $0x1400  }
0xe0: {  	[sflag:s29] =	ssyncset.done $0x0  }
0xe1: {  	[sflag:s29] =	ssyncadd.s32 $0xFFFFEC00  }
0xe2: {  	_ =	swait.ge [sflag:s1], $0x1400  }
0xe3: {  	s12 =	sshra.s32 s11, $0x2;
	[sflag:s1] =	ssyncset.done $0x0  }
0xe4: {  	s13 =	sadd.s32 $0x230, s12;
	[sflag:s1] =	ssyncadd.s32 $0xFFFFEC00  }
0xe5: {  	[tilespmem:s31], [sflag:$0x1] =	stream.indirect.gather [hbm4b:s4+s24], $0x40, s13, s24, $0xb8;
	[tilespmem:$0x124C0] =	vst v63  }
0xe6: {  	s15 =	sadd.s32 $0x1B80, s12  }
0xe7: {  	[spmem:s2] =	stream.indirect.scatter.add.f32 [tilespmem:s21], [sflag:$0x2], $0x40, s15, s24, $0xb8;
	[tilespmem:$0x124C0] =	vst v63  }
0xe8: {  	_ =	swait.ge [sflag:s29], $0x1400  }
0xe9: {  	[sflag:s29] =	ssyncset.done $0x0  }
0xea: {  	[sflag:s29] =	ssyncadd.s32 $0xFFFFEC00  }
0xeb: {  	p0 =	seq.s32 s11, $0x5F00;
	_ =	swait.ge [sflag:s1], $0x1400  }
0xec: {  	s14 =	simm.s32 @p0 $0x50;
	s13 =	sshra.s32 @p0 s11, $0x2;
	[sflag:s1] =	ssyncset.done $0x0  }
0xed: {  	s13 =	sadd.s32 @p0 $0x1BD0, s13;
	s15 =	simm.s32 @p0 $0x4880;
	[sflag:s1] =	ssyncadd.s32 $0xFFFFEC00  }
0xee: {  	[spmem:s2] =	stream.indirect.scatter.add.f32 @p0 [tilespmem:s15], [sflag:$0x2], $0x40, s13, s14, $0xb8;
	[tilespmem:$0x124C0] =	vst v63  }
0xef: {  	s13 =	simm.s32 @p0 $0x1  }
0xf0: {  	_ =	swait.ge @p0 [sflag:s13], $0x1400  }
0xf1: {  	[sflag:s13] =	ssyncset.done @p0 $0x0  }
0xf2: {  	[sflag:s13] =	ssyncadd.s32 @p0 $0xFFFFEC00;
	s13 =	simm.s32 @p0 $0x2  }
0xf3: {  	_ =	swait.ge @p0 [sflag:s13], $0x1400  }
0xf4: {  	[sflag:s13] =	ssyncset.done @p0 $0x0  }
0xf5: {  	[sflag:s13] =	ssyncadd.s32 @p0 $0xFFFFEC00;
	s13 =	sshra.s32 @!p0 s11, $0x2  }
0xf6: {  	s16 =	simm.s32 @!p0 $0x3480;
	s15 =	simm.s32 @!p0 $0x50;
	s14 =	sadd.s32 @!p0 $0x280, s13  }
0xf7: {  	[tilespmem:s16], [sflag:$0x1] =	stream.indirect.gather @!p0 [hbm4b:s4+s15], $0x40, s14, s15, $0xb8;
	[tilespmem:$0x124C0] =	vst v63  }
0xf8: {  	s14 =	sadd.s32 @!p0 $0x1BD0, s13;
	s16 =	simm.s32 @!p0 $0x4880  }
0xf9: {  	[spmem:s2] =	stream.indirect.scatter.add.f32 @!p0 [tilespmem:s16], [sflag:$0x2], $0x40, s14, s15, $0xb8;
	[tilespmem:$0x124C0] =	vst v63  }
0xfa: {  	s14 =	simm.s32 @!p0 $0x1  }
0xfb: {  	_ =	swait.ge @!p0 [sflag:s14], $0x1400  }
0xfc: {  	[sflag:s14] =	ssyncset.done @!p0 $0x0  }
0xfd: {  	[sflag:s14] =	ssyncadd.s32 @!p0 $0xFFFFEC00;
	s14 =	simm.s32 @!p0 $0x2  }
0xfe: {  	_ =	swait.ge @!p0 [sflag:s14], $0x1400  }
0xff: {  	[sflag:s14] =	ssyncset.done @!p0 $0x0  }
0x100: {  	s13 =	sadd.s32 @!p0 $0x2D0, s13;
	[sflag:s14] =	ssyncadd.s32 @!p0 $0xFFFFEC00  }
0x101: {  	[tilespmem:s16], [sflag:$0x1] =	stream.indirect.gather @!p0 [hbm4b:s4+s15], $0x40, s13, s15, $0xb8;
	[tilespmem:$0x124C0] =	vst v63  }
0x102: {  	s16 =	sadd.s32 $0x1C20, s12  }
0x103: {  	[spmem:s2] =	stream.indirect.scatter.add.f32 [tilespmem:s28], [sflag:$0x2], $0x40, s16, s24, $0xb8;
	[tilespmem:$0x124C0] =	vst v63  }
0x104: {  	_ =	swait.ge [sflag:s29], $0x1400  }
.Ltmp5:
0x105: {  	[sflag:s29] =	ssyncset.done $0x0;
	(pc) =	sbr.rel @p0 .LBB2_9-.Ltmp5, $4  }
0x106: {  	[sflag:s29] =	ssyncadd.s32 $0xFFFFEC00  }
0x107: {  	_ =	swait.ge [sflag:s1], $0x1400  }
0x108: {  	[sflag:s1] =	ssyncset.done $0x0  }
0x109: {  	s13 =	sadd.s32 $0x1C70, s12;
	[sflag:s1] =	ssyncadd.s32 $0xFFFFEC00  }
.Ltmp6:
0x10a: {  	(pc) =	sbr.rel .LBB2_7-.Ltmp6, $4  }
0x10b: {  	s12 =	sadd.s32 $0x320, s12  }
0x10c: {  	[tilespmem:s28], [sflag:$0x1] =	stream.indirect.gather [hbm4b:s4+s24], $0x40, s12, s24, $0xb8;
	[tilespmem:$0x124C0] =	vst v63  }
0x10d: {  	s11 =	sadd.s32 $0x500, s11  }
0x10e: {  	[spmem:s2] =	stream.indirect.scatter.add.f32 [tilespmem:s31], [sflag:$0x2], $0x40, s13, s24, $0xb8;
	[tilespmem:$0x124C0] =	vst v63  }
.LBB2_9:
0x10f: {  	[spmem:s2] =	stream.indirect.scatter.add.f32 [tilespmem:s31], [sflag:$0x2], $0x40, s13, s24, $0xb8;
	[tilespmem:$0x124C0] =	vst v63  }
0x110: {  	_ =	swait.ge [sflag:s1], $0x1400  }
0x111: {  	[sflag:s1] =	ssyncset.done $0x0  }
0x112: {  	s11 =	simm.s32 $0x0;
	[sflag:s1] =	ssyncadd.s32 $0xFFFFEC00  }
0x113: {  	[tilespmem:s11], [sflag:$0x3] =	stream.linear.gather [hbm4b:s17+s11], $0x1A40, $0x38;
	[tilespmem:$0x124C0] =	vst v63  }
0x114: {  	_ =	swait.ge [sflag:s22], $0x1A40  }
0x115: {  	[sflag:s22] =	ssyncset.done $0x0  }
0x116: {  	[sflag:s22] =	ssyncadd.s32 $0xFFFFE5C0  }
0x117: {  	[tilespmem:s23], [sflag:$0x3] =	stream.linear.gather [hbm4b:s18+s11], $0x1A40, $0x38;
	[tilespmem:$0x124C0] =	vst v63  }
0x118: {  	_ =	swait.ge [sflag:s22], $0x1A40  }
0x119: {  	[sflag:s22] =	ssyncset.done $0x0  }
0x11a: {  	[sflag:s22] =	ssyncadd.s32 $0xFFFFE5C0  }
0x11b: {  	[tilespmem:s21], [sflag:$0x1] =	stream.indirect.gather [hbm4b:s4+s24], $0x40, s11, s24, $0xb8;
	[tilespmem:$0x124C0] =	vst v63  }
0x11c: {  	_ = 	snop  }
0x11d: {  	[tilespmem:s25], [sflag:$0x1] =	stream.indirect.gather [hbm4b:s4+s24], $0x40, s24, s24, $0xb8;
	[tilespmem:$0x124C0] =	vst v63  }
0x11e: {  	_ = 	snop  }
0x11f: {  	[tilespmem:s28], [sflag:$0x1] =	stream.indirect.gather [hbm4b:s4+s24], $0x40, s26, s24, $0xb8;
	[tilespmem:$0x124C0] =	vst v63  }
0x120: {  	_ =	swait.ge [sflag:s29], $0x1400  }
0x121: {  	[sflag:s29] =	ssyncset.done $0x0  }
0x122: {  	[sflag:s29] =	ssyncadd.s32 $0xFFFFEC00  }
0x123: {  	[tilespmem:s31], [sflag:$0x1] =	stream.indirect.gather [hbm4b:s4+s24], $0x40, s30, s24, $0xb8;
	[tilespmem:$0x124C0] =	vst v63  }
0x124: {  	_ = 	snop  }
0x125: {  	[spmem:s2] =	stream.indirect.scatter.add.f32 [tilespmem:s21], [sflag:$0x2], $0x40, s23, s24, $0xb8;
	[tilespmem:$0x124C0] =	vst v63  }
0x126: {  	_ =	swait.ge [sflag:s29], $0x1400  }
0x127: {  	[sflag:s29] =	ssyncset.done $0x0  }
0x128: {  	[sflag:s29] =	ssyncadd.s32 $0xFFFFEC00  }
0x129: {  	_ =	swait.ge [sflag:s1], $0x1400  }
0x12a: {  	[sflag:s1] =	ssyncset.done $0x0  }
0x12b: {  	[sflag:s1] =	ssyncadd.s32 $0xFFFFEC00  }
0x12c: {  	[tilespmem:s21], [sflag:$0x1] =	stream.indirect.gather [hbm4b:s4+s24], $0x40, s0, s24, $0xb8;
	[tilespmem:$0x124C0] =	vst v63  }
0x12d: {  	_ = 	snop  }
0x12e: {  	[spmem:s2] =	stream.indirect.scatter.add.f32 [tilespmem:s25], [sflag:$0x2], $0x40, s6, s24, $0xb8;
	[tilespmem:$0x124C0] =	vst v63  }
0x12f: {  	_ =	swait.ge [sflag:s29], $0x1400  }
0x130: {  	[sflag:s29] =	ssyncset.done $0x0  }
0x131: {  	[sflag:s29] =	ssyncadd.s32 $0xFFFFEC00  }
0x132: {  	_ =	swait.ge [sflag:s1], $0x1400  }
0x133: {  	[sflag:s1] =	ssyncset.done $0x0  }
0x134: {  	[sflag:s1] =	ssyncadd.s32 $0xFFFFEC00  }
0x135: {  	[tilespmem:s25], [sflag:$0x1] =	stream.indirect.gather [hbm4b:s4+s24], $0x40, s7, s24, $0xb8;
	[tilespmem:$0x124C0] =	vst v63  }
0x136: {  	_ = 	snop  }
0x137: {  	[spmem:s2] =	stream.indirect.scatter.add.f32 [tilespmem:s28], [sflag:$0x2], $0x40, s8, s24, $0xb8;
	[tilespmem:$0x124C0] =	vst v63  }
0x138: {  	_ =	swait.ge [sflag:s29], $0x1400  }
0x139: {  	[sflag:s29] =	ssyncset.done $0x0  }
0x13a: {  	[sflag:s29] =	ssyncadd.s32 $0xFFFFEC00  }
0x13b: {  	_ =	swait.ge [sflag:s1], $0x1400  }
0x13c: {  	[sflag:s1] =	ssyncset.done $0x0  }
0x13d: {  	[sflag:s1] =	ssyncadd.s32 $0xFFFFEC00  }
0x13e: {  	[tilespmem:s28], [sflag:$0x1] =	stream.indirect.gather [hbm4b:s4+s24], $0x40, s9, s24, $0xb8;
	[tilespmem:$0x124C0] =	vst v63  }
0x13f: {  	_ = 	snop  }
0x140: {  	[spmem:s2] =	stream.indirect.scatter.add.f32 [tilespmem:s31], [sflag:$0x2], $0x40, s10, s24, $0xb8;
	[tilespmem:$0x124C0] =	vst v63  }
.LBB2_10:
0x141: {  	_ =	swait.ge [sflag:s29], $0x1400  }
0x142: {  	[sflag:s29] =	ssyncset.done $0x0  }
0x143: {  	[sflag:s29] =	ssyncadd.s32 $0xFFFFEC00  }
0x144: {  	_ =	swait.ge [sflag:s1], $0x1400  }
0x145: {  	s12 =	sshra.s32 s11, $0x2;
	[sflag:s1] =	ssyncset.done $0x0  }
0x146: {  	s13 =	sadd.s32 $0x230, s12;
	[sflag:s1] =	ssyncadd.s32 $0xFFFFEC00  }
0x147: {  	[tilespmem:s31], [sflag:$0x1] =	stream.indirect.gather [hbm4b:s4+s24], $0x40, s13, s24, $0xb8;
	[tilespmem:$0x124C0] =	vst v63  }
0x148: {  	s15 =	sadd.s32 $0x1B80, s12  }
0x149: {  	[spmem:s2] =	stream.indirect.scatter.add.f32 [tilespmem:s21], [sflag:$0x2], $0x40, s15, s24, $0xb8;
	[tilespmem:$0x124C0] =	vst v63  }
0x14a: {  	_ =	swait.ge [sflag:s29], $0x1400  }
0x14b: {  	[sflag:s29] =	ssyncset.done $0x0  }
0x14c: {  	[sflag:s29] =	ssyncadd.s32 $0xFFFFEC00  }
0x14d: {  	p0 =	seq.s32 s11, $0x5F00;
	_ =	swait.ge [sflag:s1], $0x1400  }
0x14e: {  	s14 =	simm.s32 @p0 $0x50;
	s13 =	sshra.s32 @p0 s11, $0x2;
	[sflag:s1] =	ssyncset.done $0x0  }
0x14f: {  	s13 =	sadd.s32 @p0 $0x1BD0, s13;
	s15 =	simm.s32 @p0 $0x4880;
	[sflag:s1] =	ssyncadd.s32 $0xFFFFEC00  }
0x150: {  	[spmem:s2] =	stream.indirect.scatter.add.f32 @p0 [tilespmem:s15], [sflag:$0x2], $0x40, s13, s14, $0xb8;
	[tilespmem:$0x124C0] =	vst v63  }
0x151: {  	s13 =	simm.s32 @p0 $0x1  }
0x152: {  	_ =	swait.ge @p0 [sflag:s13], $0x1400  }
0x153: {  	[sflag:s13] =	ssyncset.done @p0 $0x0  }
0x154: {  	[sflag:s13] =	ssyncadd.s32 @p0 $0xFFFFEC00;
	s13 =	simm.s32 @p0 $0x2  }
0x155: {  	_ =	swait.ge @p0 [sflag:s13], $0x1400  }
0x156: {  	[sflag:s13] =	ssyncset.done @p0 $0x0  }
0x157: {  	[sflag:s13] =	ssyncadd.s32 @p0 $0xFFFFEC00;
	s13 =	sshra.s32 @!p0 s11, $0x2  }
0x158: {  	s16 =	simm.s32 @!p0 $0x3480;
	s15 =	simm.s32 @!p0 $0x50;
	s14 =	sadd.s32 @!p0 $0x280, s13  }
0x159: {  	[tilespmem:s16], [sflag:$0x1] =	stream.indirect.gather @!p0 [hbm4b:s4+s15], $0x40, s14, s15, $0xb8;
	[tilespmem:$0x124C0] =	vst v63  }
0x15a: {  	s14 =	sadd.s32 @!p0 $0x1BD0, s13;
	s16 =	simm.s32 @!p0 $0x4880  }
0x15b: {  	[spmem:s2] =	stream.indirect.scatter.add.f32 @!p0 [tilespmem:s16], [sflag:$0x2], $0x40, s14, s15, $0xb8;
	[tilespmem:$0x124C0] =	vst v63  }
0x15c: {  	s14 =	simm.s32 @!p0 $0x1  }
0x15d: {  	_ =	swait.ge @!p0 [sflag:s14], $0x1400  }
0x15e: {  	[sflag:s14] =	ssyncset.done @!p0 $0x0  }
0x15f: {  	[sflag:s14] =	ssyncadd.s32 @!p0 $0xFFFFEC00;
	s14 =	simm.s32 @!p0 $0x2  }
0x160: {  	_ =	swait.ge @!p0 [sflag:s14], $0x1400  }
0x161: {  	[sflag:s14] =	ssyncset.done @!p0 $0x0  }
0x162: {  	s13 =	sadd.s32 @!p0 $0x2D0, s13;
	[sflag:s14] =	ssyncadd.s32 @!p0 $0xFFFFEC00  }
0x163: {  	[tilespmem:s16], [sflag:$0x1] =	stream.indirect.gather @!p0 [hbm4b:s4+s15], $0x40, s13, s15, $0xb8;
	[tilespmem:$0x124C0] =	vst v63  }
0x164: {  	s16 =	sadd.s32 $0x1C20, s12  }
0x165: {  	[spmem:s2] =	stream.indirect.scatter.add.f32 [tilespmem:s28], [sflag:$0x2], $0x40, s16, s24, $0xb8;
	[tilespmem:$0x124C0] =	vst v63  }
0x166: {  	_ =	swait.ge [sflag:s29], $0x1400  }
.Ltmp7:
0x167: {  	[sflag:s29] =	ssyncset.done $0x0;
	(pc) =	sbr.rel @p0 .LBB2_12-.Ltmp7, $4  }
0x168: {  	[sflag:s29] =	ssyncadd.s32 $0xFFFFEC00  }
0x169: {  	_ =	swait.ge [sflag:s1], $0x1400  }
0x16a: {  	[sflag:s1] =	ssyncset.done $0x0  }
0x16b: {  	s13 =	sadd.s32 $0x1C70, s12;
	[sflag:s1] =	ssyncadd.s32 $0xFFFFEC00  }
.Ltmp8:
0x16c: {  	(pc) =	sbr.rel .LBB2_10-.Ltmp8, $4  }
0x16d: {  	s12 =	sadd.s32 $0x320, s12  }
0x16e: {  	[tilespmem:s28], [sflag:$0x1] =	stream.indirect.gather [hbm4b:s4+s24], $0x40, s12, s24, $0xb8;
	[tilespmem:$0x124C0] =	vst v63  }
0x16f: {  	s11 =	sadd.s32 $0x500, s11  }
0x170: {  	[spmem:s2] =	stream.indirect.scatter.add.f32 [tilespmem:s31], [sflag:$0x2], $0x40, s13, s24, $0xb8;
	[tilespmem:$0x124C0] =	vst v63  }
.LBB2_13:
0x171: {  	_ =	sfence.sel $0x180000  }
0x172: {  	[bflag:$0x0] =	sbarrier.arrive $0xFFFF  }
0x173: {  	_ =	strace $0x90000047  }
0x174: {  	s0 =	stileid.u32;
	[bflag:$0x2] =	sbarrier.arrive $0xFFFF  }
0x175: {  	p0 =	sne.s32 s0, $0x0;
	s0 =	rddreg [dreg:$0x3]  }
0x176: {  	s0 =	sadd.s32 @!p0 $0x100000, s0  }
0x177: {  	[sflag:s0] =	ssyncadd.tile.s32 @!p0 $0x1;
	_ =	shalt  }
.Lfunc_end2:
_tile_overlayer_lowered:
.L_overlay_start_2:
0x178: {  	(tag) =	ssettag $0x2  }
0x179: {  	s0 =	rddreg [dreg:$0x0];
	s2 =	stileid.u32  }
0x17a: {  	s1 =	rddreg [dreg:$0x1];
	p0 =	sne.s32 s2, $0x0  }
0x17b: {  	s3 =	rddreg [dreg:$0x2];
	[bflag:$0x3] =	sbarrier.arrive $0xFFFF;
	s2 =	simm.s32 @!p0 $0x1C03  }
0x17c: {  	[timem:s3], [sflag:s2] =	dma.local @!p0 [hbm:s0], s1  }
0x17d: {  	s0 =	simm.s32 @!p0 $0x3  }
0x17e: {  	_ =	swait.ge @!p0 [sflag:s0], s1  }
0x17f: {  	s1 =	ssub.s32 @!p0 $0x0, s1;
	[sflag:s0] =	ssyncset.done @!p0 $0x0  }
0x180: {  	[sflag:s0] =	ssyncadd.s32 @!p0 s1  }
0x181: {  	[bflag:$0x3] =	sbarrier.arrive $0xFFFF  }
0x182: {  	_ =	shalt  }

</sc_bundles>
